<compile_context>
chip_gen: v7x
topology: tpu7x:2x2x1
jax: 0.10.2.dev20260603
libtpu: 0.0.44.dev20260713+nightly
codegen_flags: <defaults>
</compile_context>

<pallas_src>
import functools

import jax
import jax.numpy as jnp
from jax import lax
from jax.experimental import pallas as pl
from jax.experimental.pallas import tpu as pltpu
from jax.experimental.pallas import tpu_sc as plsc

N_NODES = 10000
N_EDGES = 320000
D_FEAT = 128

NC = 2
NS = 16
NW = NC * NS
E_PER_W = N_EDGES // NW
EB = 80
NB = E_PER_W // EB
N_PAD = 10240
ROWS_PER_TILE = N_PAD // NS
Z_ROWS = 128


def _sc_body(x_hbm, pk_hbm, zrows_hbm, zdeg_hbm, ones_hbm,
             acc_out, deg_out,
             pk_v, sb0, db0, sb1, db1, buf0, buf1, ones_v, acc_sh, deg_sh,
             sem0, sem1, s0, s1, semi):
    cid = lax.axis_index("c")
    sid = lax.axis_index("s")
    wid = cid * NS + sid

    stripe = pl.ds(sid * ROWS_PER_TILE, ROWS_PER_TILE)
    pltpu.async_copy(pk_hbm.at[wid], pk_v, semi)
    pltpu.async_copy(ones_hbm, ones_v, semi)
    for z in range(ROWS_PER_TILE // Z_ROWS):
        pltpu.async_copy(
            zrows_hbm, acc_sh.at[pl.ds(sid * ROWS_PER_TILE + z * Z_ROWS,
                                       Z_ROWS)], semi)
    pltpu.async_copy(zdeg_hbm, deg_sh.at[stripe], semi)
    pltpu.make_async_copy(pk_hbm.at[wid], pk_v, semi).wait()
    pltpu.make_async_copy(ones_hbm, ones_v, semi).wait()
    for z in range(ROWS_PER_TILE // Z_ROWS):
        pltpu.make_async_copy(
            zrows_hbm, acc_sh.at[pl.ds(sid * ROWS_PER_TILE + z * Z_ROWS,
                                       Z_ROWS)], semi).wait()
    pltpu.make_async_copy(zdeg_hbm, deg_sh.at[stripe], semi).wait()
    plsc.subcore_barrier()

    def unpack(i, src_b, dst_b):
        for k in range(EB // 16):
            w = pk_v[i, pl.ds(k * 16, 16)]
            src_b[pl.ds(k * 16, 16)] = w & 0xFFFF
            dst_b[pl.ds(k * 16, 16)] = lax.shift_right_logical(w, 16)

    def start_gather(src_b, buf, sem):
        pltpu.async_copy(x_hbm.at[src_b], buf, sem)

    def wait_gather(src_b, buf, sem):
        pltpu.make_async_copy(x_hbm.at[src_b], buf, sem).wait()

    unpack(0, sb0, db0)
    start_gather(sb0, buf0, sem0)
    unpack(1, sb1, db1)
    start_gather(sb1, buf1, sem1)

    def scat(buf, dbx, sx):
        pltpu.async_copy(buf, acc_sh.at[dbx], sx, add=True)
        pltpu.async_copy(ones_v, deg_sh.at[dbx], sx, add=True)

    def scat_wait(buf, dbx, sx):
        pltpu.make_async_copy(buf, acc_sh.at[dbx], sx).wait()
        pltpu.make_async_copy(ones_v, deg_sh.at[dbx], sx).wait()

    def body(g, carry):
        i0 = 2 * g
        wait_gather(sb0, buf0, sem0)
        scat(buf0, db0, s0)
        wait_gather(sb1, buf1, sem1)
        scat(buf1, db1, s1)
        scat_wait(buf0, db0, s0)
        unpack(i0 + 2, sb0, db0)
        start_gather(sb0, buf0, sem0)
        scat_wait(buf1, db1, s1)
        unpack(i0 + 3, sb1, db1)
        start_gather(sb1, buf1, sem1)
        return carry

    lax.fori_loop(0, (NB - 3) // 2, body, 0)

    wait_gather(sb0, buf0, sem0)
    scat(buf0, db0, s0)
    wait_gather(sb1, buf1, sem1)
    scat(buf1, db1, s1)
    scat_wait(buf0, db0, s0)
    unpack(NB - 1, sb0, db0)
    start_gather(sb0, buf0, sem0)
    scat_wait(buf1, db1, s1)
    wait_gather(sb0, buf0, sem0)
    scat(buf0, db0, s0)
    scat_wait(buf0, db0, s0)
    plsc.subcore_barrier()

    pltpu.async_copy(acc_sh.at[stripe], acc_out.at[cid, stripe], semi)
    pltpu.async_copy(deg_sh.at[stripe], deg_out.at[cid, stripe], semi)
    pltpu.make_async_copy(acc_sh.at[stripe], acc_out.at[cid, stripe],
                          semi).wait()
    pltpu.make_async_copy(deg_sh.at[stripe], deg_out.at[cid, stripe],
                          semi).wait()


@functools.partial(
    pl.kernel,
    mesh=plsc.VectorSubcoreMesh(core_axis_name="c", subcore_axis_name="s"),
    out_type=[
        jax.ShapeDtypeStruct((NC, N_PAD, D_FEAT), jnp.float32),
        jax.ShapeDtypeStruct((NC, N_PAD), jnp.float32),
    ],
    scratch_types=[
        pltpu.VMEM((NB, EB), jnp.int32),
        pltpu.VMEM((EB,), jnp.int32),
        pltpu.VMEM((EB,), jnp.int32),
        pltpu.VMEM((EB,), jnp.int32),
        pltpu.VMEM((EB,), jnp.int32),
        pltpu.VMEM((EB, D_FEAT), jnp.float32),
        pltpu.VMEM((EB, D_FEAT), jnp.float32),
        pltpu.VMEM((EB,), jnp.float32),
        pltpu.VMEM_SHARED((N_PAD, D_FEAT), jnp.float32),
        pltpu.VMEM_SHARED((N_PAD,), jnp.float32),
        pltpu.SemaphoreType.DMA,
        pltpu.SemaphoreType.DMA,
        pltpu.SemaphoreType.DMA,
        pltpu.SemaphoreType.DMA,
        pltpu.SemaphoreType.DMA,
    ],
)
def _sc_aggregate(*refs):
    _sc_body(*refs)


_TC_R = 1000


def _tc_body(x_ref, p0_ref, p1_ref, d0_ref, d1_ref, ws_ref, wn_ref, b_ref,
             o_ref):
    deg = jnp.maximum(d0_ref[...] + d1_ref[...], 1.0)
    agg = (p0_ref[0] + p1_ref[0]) / deg
    h = jnp.dot(x_ref[...], ws_ref[...], preferred_element_type=jnp.float32)
    h = h + jnp.dot(agg, wn_ref[...], preferred_element_type=jnp.float32)
    o_ref[...] = jnp.maximum(h + b_ref[...], 0.0)


def _tc_finish(x, acc, d0, d1, w_self, w_neigh, b2):
    grid = (N_NODES // _TC_R,)
    row_blk = pl.BlockSpec((_TC_R, D_FEAT), lambda i: (i, 0))
    p0_blk = pl.BlockSpec((1, _TC_R, D_FEAT), lambda i: (0, i, 0))
    p1_blk = pl.BlockSpec((1, _TC_R, D_FEAT), lambda i: (1, i, 0))
    col_blk = pl.BlockSpec((_TC_R, 1), lambda i: (i, 0))
    full_w = pl.BlockSpec((D_FEAT, D_FEAT), lambda i: (0, 0))
    return pl.pallas_call(
        _tc_body,
        grid=grid,
        in_specs=[row_blk, p0_blk, p1_blk, col_blk, col_blk, full_w,
                  full_w, pl.BlockSpec((1, D_FEAT), lambda i: (0, 0))],
        out_specs=row_blk,
        out_shape=jax.ShapeDtypeStruct((N_NODES, D_FEAT), jnp.float32),
    )(x, acc, acc, d0, d1, w_self, w_neigh, b2)


def kernel(x, edge_index, batch, W_self, W_neigh, b):
    src = edge_index[0].astype(jnp.int32)
    dst = edge_index[1].astype(jnp.int32)
    packed = (src | (dst << 16)).reshape(NW, NB, EB)
    zrows = jnp.zeros((Z_ROWS, D_FEAT), jnp.float32)
    zdeg = jnp.zeros((ROWS_PER_TILE,), jnp.float32)
    ones = jnp.ones((EB,), jnp.float32)

    acc, deg = _sc_aggregate(x, packed, zrows, zdeg, ones)

    d0 = deg[0, :N_NODES].reshape(N_NODES, 1)
    d1 = deg[1, :N_NODES].reshape(N_NODES, 1)
    out = _tc_finish(x, acc, d0, d1, W_self, W_neigh, b.reshape(1, D_FEAT))
    return out, batch

# --- scband reference (transcript-rebuilt; emitter-appended) ---
"""Pipeline reference for scband-embedding-module-30580167148188 (READ-ONLY COPY).

The authoritative reference and input builder live on the scoring server;
editing this copy changes nothing except your own understanding.
"""

import jax, jax.numpy as jnp
import numpy as np

N_NODES = 10000
N_EDGES = 320000
D_FEAT = 128
N_GRAPHS = 16


def setup_inputs(seed: int = 0) -> dict:
    key = jax.random.key(seed)
    k1, k2, k3, k4, k5 = jax.random.split(key, 5)
    x = jax.random.normal(k1, (N_NODES, D_FEAT), dtype=jnp.float32)
    edge_index = jax.random.randint(k2, (2, N_EDGES), 0, N_NODES, dtype=jnp.int64)
    batch = jnp.sort(jax.random.randint(k3, (N_NODES,), 0, N_GRAPHS, dtype=jnp.int64))
    # GNN parameters (single GraphConv-style message-passing layer, embedding_size=128)
    W_self = jax.random.normal(k4, (D_FEAT, D_FEAT), dtype=jnp.float32) * (1.0 / np.sqrt(D_FEAT))
    W_neigh = jax.random.normal(k5, (D_FEAT, D_FEAT), dtype=jnp.float32) * (1.0 / np.sqrt(D_FEAT))
    b = jnp.zeros((D_FEAT,), dtype=jnp.float32)
    return {"x": x, "edge_index": edge_index, "batch": batch, "W_self": W_self, "W_neigh": W_neigh, "b": b}


def reference(x, edge_index, batch, W_self, W_neigh, b):
    # EmbeddingModule.forward on a pre-built Batch: node_emb, batch_vec = self.gnn(as_batch);
    # ObjectEmbedding.from_sparse(node_emb, batch_vec) keeps the sparse (flat) node embeddings
    # together with the graph-membership vector.
    src = edge_index[0]
    dst = edge_index[1]
    # gather source node features (SparseCore gather)
    msgs = jnp.take(x, src, axis=0) @ W_neigh
    # scatter-add aggregation onto destination nodes (SparseCore scatter-add)
    agg = jax.ops.segment_sum(msgs, dst, num_segments=N_NODES)
    deg = jax.ops.segment_sum(jnp.ones((N_EDGES,), dtype=jnp.float32), dst, num_segments=N_NODES)
    agg = agg / jnp.clip(deg, 1.0, None)[:, None]
    node_emb = jax.nn.relu(x @ W_self + agg + b)
    return node_emb, batch

if __name__ == "__main__":
    import jax
    _d = setup_inputs()
    print(jax.jit(kernel)(*tuple(_d.values())))

</pallas_src>

<mosaic_0001>
#map = affine_map<(d0, d1) -> (0, 0)>
#map1 = affine_map<(d0, d1) -> (0, 0, 0)>
#map2 = affine_map<(d0, d1) -> (0)>
module attributes {stable_mosaic.version = 14 : i64} {
  func.func @_sc_aggregate(%arg0: i32, %arg1: i32, %arg2: memref<10000x128xf32, #tpu.memory_space<hbm>>, %arg3: memref<32x125x80xi32, #tpu.memory_space<hbm>>, %arg4: memref<128x128xf32, #tpu.memory_space<hbm>>, %arg5: memref<640xf32, #tpu.memory_space<hbm>>, %arg6: memref<80xf32, #tpu.memory_space<hbm>>, %arg7: memref<2x10240x128xf32, #tpu.memory_space<hbm>>, %arg8: memref<2x10240xf32, #tpu.memory_space<hbm>>, %arg9: memref<125x80xi32, #tpu.memory_space<vmem>>, %arg10: memref<80xi32, #tpu.memory_space<vmem>>, %arg11: memref<80xi32, #tpu.memory_space<vmem>>, %arg12: memref<80xi32, #tpu.memory_space<vmem>>, %arg13: memref<80xi32, #tpu.memory_space<vmem>>, %arg14: memref<80x128xf32, #tpu.memory_space<vmem>>, %arg15: memref<80x128xf32, #tpu.memory_space<vmem>>, %arg16: memref<80xf32, #tpu.memory_space<vmem>>, %arg17: memref<10240x128xf32, #tpu.memory_space<vmem_shared>>, %arg18: memref<10240xf32, #tpu.memory_space<vmem_shared>>, %arg19: memref<!tpu.dma_semaphore, #tpu.memory_space<semaphore_mem>>, %arg20: memref<!tpu.dma_semaphore, #tpu.memory_space<semaphore_mem>>, %arg21: memref<!tpu.dma_semaphore, #tpu.memory_space<semaphore_mem>>, %arg22: memref<!tpu.dma_semaphore, #tpu.memory_space<semaphore_mem>>, %arg23: memref<!tpu.dma_semaphore, #tpu.memory_space<semaphore_mem>>) attributes {dimension_semantics = [#tpu.dimension_semantics<core_parallel>, #tpu.dimension_semantics<subcore_parallel>], iteration_bounds = array<i64: 2, 16>, scalar_prefetch = 0 : i64, scratch_operands = 15 : i64, tpu.core_type = #tpu.core_type<sc_vector_subcore>, window_params = [{transform_indices = #map}, {transform_indices = #map1}, {transform_indices = #map}, {transform_indices = #map2}, {transform_indices = #map2}, {transform_indices = #map1}, {transform_indices = #map}]} {
    %mul3A = arith.constant 16 : i32
    %mul3A_0 = arith.muli %arg0, %mul3A : i32
    %add3A = arith.addi %mul3A_0, %arg1 : i32
    %mul3A_1 = arith.constant 640 : i32
    %mul3A_2 = arith.muli %arg1, %mul3A_1 : i32
    %dma_start3A = arith.constant 0 : i32
    %dma_start3A_3 = arith.constant 0 : i32
    %dma_start3A_4 = tpu.memref_slice %arg3[%add3A, %dma_start3A, %dma_start3A_3] : memref<32x125x80xi32, #tpu.memory_space<hbm>> -> memref<1x125x80xi32, #tpu.memory_space<hbm>>
    %dma_start3A_5 = tpu.memref_squeeze %dma_start3A_4 : memref<1x125x80xi32, #tpu.memory_space<hbm>> -> memref<125x80xi32, #tpu.memory_space<hbm>>
    %dma_start3A_6 = arith.constant 0 : i32
    %dma_start3A_7 = arith.constant 0 : i32
    %dma_start3A_8 = tpu.memref_slice %arg3[%add3A, %dma_start3A_6, %dma_start3A_7] : memref<32x125x80xi32, #tpu.memory_space<hbm>> -> memref<1x125x80xi32, #tpu.memory_space<hbm>>
    %dma_start3A_9 = tpu.memref_squeeze %dma_start3A_8 : memref<1x125x80xi32, #tpu.memory_space<hbm>> -> memref<125x80xi32, #tpu.memory_space<hbm>>
    tpu.enqueue_dma source(%dma_start3A_9 : memref<125x80xi32, #tpu.memory_space<hbm>>) target(%arg9 : memref<125x80xi32, #tpu.memory_space<vmem>>) target_semaphore(%arg23 : memref<!tpu.dma_semaphore, #tpu.memory_space<semaphore_mem>>)
    tpu.enqueue_dma source(%arg6 : memref<80xf32, #tpu.memory_space<hbm>>) target(%arg16 : memref<80xf32, #tpu.memory_space<vmem>>) target_semaphore(%arg23 : memref<!tpu.dma_semaphore, #tpu.memory_space<semaphore_mem>>)
    %mul3A_10 = arith.constant 640 : i32
    %mul3A_11 = arith.muli %arg1, %mul3A_10 : i32
    %add3A_12 = arith.constant 0 : i32
    %add3A_13 = arith.addi %mul3A_11, %add3A_12 : i32
    %dma_start3A_14 = arith.constant 0 : i32
    %dma_start3A_15 = tpu.memref_slice %arg17[%add3A_13, %dma_start3A_14] : memref<10240x128xf32, #tpu.memory_space<vmem_shared>> -> memref<128x128xf32, #tpu.memory_space<vmem_shared>>
    tpu.enqueue_dma source(%arg4 : memref<128x128xf32, #tpu.memory_space<hbm>>) target(%dma_start3A_15 : memref<128x128xf32, #tpu.memory_space<vmem_shared>>) target_semaphore(%arg23 : memref<!tpu.dma_semaphore, #tpu.memory_space<semaphore_mem>>)
    %mul3A_16 = arith.constant 640 : i32
    %mul3A_17 = arith.muli %arg1, %mul3A_16 : i32
    %add3A_18 = arith.constant 128 : i32
    %add3A_19 = arith.addi %mul3A_17, %add3A_18 : i32
    %dma_start3A_20 = arith.constant 0 : i32
    %dma_start3A_21 = tpu.memref_slice %arg17[%add3A_19, %dma_start3A_20] : memref<10240x128xf32, #tpu.memory_space<vmem_shared>> -> memref<128x128xf32, #tpu.memory_space<vmem_shared>>
    tpu.enqueue_dma source(%arg4 : memref<128x128xf32, #tpu.memory_space<hbm>>) target(%dma_start3A_21 : memref<128x128xf32, #tpu.memory_space<vmem_shared>>) target_semaphore(%arg23 : memref<!tpu.dma_semaphore, #tpu.memory_space<semaphore_mem>>)
    %mul3A_22 = arith.constant 640 : i32
    %mul3A_23 = arith.muli %arg1, %mul3A_22 : i32
    %add3A_24 = arith.constant 256 : i32
    %add3A_25 = arith.addi %mul3A_23, %add3A_24 : i32
    %dma_start3A_26 = arith.constant 0 : i32
    %dma_start3A_27 = tpu.memref_slice %arg17[%add3A_25, %dma_start3A_26] : memref<10240x128xf32, #tpu.memory_space<vmem_shared>> -> memref<128x128xf32, #tpu.memory_space<vmem_shared>>
    tpu.enqueue_dma source(%arg4 : memref<128x128xf32, #tpu.memory_space<hbm>>) target(%dma_start3A_27 : memref<128x128xf32, #tpu.memory_space<vmem_shared>>) target_semaphore(%arg23 : memref<!tpu.dma_semaphore, #tpu.memory_space<semaphore_mem>>)
    %mul3A_28 = arith.constant 640 : i32
    %mul3A_29 = arith.muli %arg1, %mul3A_28 : i32
    %add3A_30 = arith.constant 384 : i32
    %add3A_31 = arith.addi %mul3A_29, %add3A_30 : i32
    %dma_start3A_32 = arith.constant 0 : i32
    %dma_start3A_33 = tpu.memref_slice %arg17[%add3A_31, %dma_start3A_32] : memref<10240x128xf32, #tpu.memory_space<vmem_shared>> -> memref<128x128xf32, #tpu.memory_space<vmem_shared>>
    tpu.enqueue_dma source(%arg4 : memref<128x128xf32, #tpu.memory_space<hbm>>) target(%dma_start3A_33 : memref<128x128xf32, #tpu.memory_space<vmem_shared>>) target_semaphore(%arg23 : memref<!tpu.dma_semaphore, #tpu.memory_space<semaphore_mem>>)
    %mul3A_34 = arith.constant 640 : i32
    %mul3A_35 = arith.muli %arg1, %mul3A_34 : i32
    %add3A_36 = arith.constant 512 : i32
    %add3A_37 = arith.addi %mul3A_35, %add3A_36 : i32
    %dma_start3A_38 = arith.constant 0 : i32
    %dma_start3A_39 = tpu.memref_slice %arg17[%add3A_37, %dma_start3A_38] : memref<10240x128xf32, #tpu.memory_space<vmem_shared>> -> memref<128x128xf32, #tpu.memory_space<vmem_shared>>
    tpu.enqueue_dma source(%arg4 : memref<128x128xf32, #tpu.memory_space<hbm>>) target(%dma_start3A_39 : memref<128x128xf32, #tpu.memory_space<vmem_shared>>) target_semaphore(%arg23 : memref<!tpu.dma_semaphore, #tpu.memory_space<semaphore_mem>>)
    %dma_start3A_40 = tpu.memref_slice %arg18[%mul3A_2] : memref<10240xf32, #tpu.memory_space<vmem_shared>> -> memref<640xf32, #tpu.memory_space<vmem_shared>>
    tpu.enqueue_dma source(%arg5 : memref<640xf32, #tpu.memory_space<hbm>>) target(%dma_start3A_40 : memref<640xf32, #tpu.memory_space<vmem_shared>>) target_semaphore(%arg23 : memref<!tpu.dma_semaphore, #tpu.memory_space<semaphore_mem>>)
    %dma_wait3A = arith.constant 0 : i32
    %dma_wait3A_41 = arith.constant 0 : i32
    %dma_wait3A_42 = tpu.memref_slice %arg3[%add3A, %dma_wait3A, %dma_wait3A_41] : memref<32x125x80xi32, #tpu.memory_space<hbm>> -> memref<1x125x80xi32, #tpu.memory_space<hbm>>
    %dma_wait3A_43 = tpu.memref_squeeze %dma_wait3A_42 : memref<1x125x80xi32, #tpu.memory_space<hbm>> -> memref<125x80xi32, #tpu.memory_space<hbm>>
    %dma_wait3A_44 = arith.constant 0 : i32
    %dma_wait3A_45 = arith.constant 0 : i32
    %dma_wait3A_46 = tpu.memref_slice %arg3[%add3A, %dma_wait3A_44, %dma_wait3A_45] : memref<32x125x80xi32, #tpu.memory_space<hbm>> -> memref<1x125x80xi32, #tpu.memory_space<hbm>>
    %dma_wait3A_47 = tpu.memref_squeeze %dma_wait3A_46 : memref<1x125x80xi32, #tpu.memory_space<hbm>> -> memref<125x80xi32, #tpu.memory_space<hbm>>
    tpu.wait_dma2 semaphore(%arg23 : memref<!tpu.dma_semaphore, #tpu.memory_space<semaphore_mem>>) src(%dma_wait3A_47 : memref<125x80xi32, #tpu.memory_space<hbm>>) dst(%arg9 : memref<125x80xi32, #tpu.memory_space<vmem>>)
    tpu.wait_dma2 semaphore(%arg23 : memref<!tpu.dma_semaphore, #tpu.memory_space<semaphore_mem>>) src(%arg6 : memref<80xf32, #tpu.memory_space<hbm>>) dst(%arg16 : memref<80xf32, #tpu.memory_space<vmem>>)
    %mul3A_48 = arith.constant 640 : i32
    %mul3A_49 = arith.muli %arg1, %mul3A_48 : i32
    %add3A_50 = arith.constant 0 : i32
    %add3A_51 = arith.addi %mul3A_49, %add3A_50 : i32
    %dma_wait3A_52 = arith.constant 0 : i32
    %dma_wait3A_53 = tpu.memref_slice %arg17[%add3A_51, %dma_wait3A_52] : memref<10240x128xf32, #tpu.memory_space<vmem_shared>> -> memref<128x128xf32, #tpu.memory_space<vmem_shared>>
    tpu.wait_dma2 semaphore(%arg23 : memref<!tpu.dma_semaphore, #tpu.memory_space<semaphore_mem>>) src(%arg4 : memref<128x128xf32, #tpu.memory_space<hbm>>) dst(%dma_wait3A_53 : memref<128x128xf32, #tpu.memory_space<vmem_shared>>)
    %mul3A_54 = arith.constant 640 : i32
    %mul3A_55 = arith.muli %arg1, %mul3A_54 : i32
    %add3A_56 = arith.constant 128 : i32
    %add3A_57 = arith.addi %mul3A_55, %add3A_56 : i32
    %dma_wait3A_58 = arith.constant 0 : i32
    %dma_wait3A_59 = tpu.memref_slice %arg17[%add3A_57, %dma_wait3A_58] : memref<10240x128xf32, #tpu.memory_space<vmem_shared>> -> memref<128x128xf32, #tpu.memory_space<vmem_shared>>
    tpu.wait_dma2 semaphore(%arg23 : memref<!tpu.dma_semaphore, #tpu.memory_space<semaphore_mem>>) src(%arg4 : memref<128x128xf32, #tpu.memory_space<hbm>>) dst(%dma_wait3A_59 : memref<128x128xf32, #tpu.memory_space<vmem_shared>>)
    %mul3A_60 = arith.constant 640 : i32
    %mul3A_61 = arith.muli %arg1, %mul3A_60 : i32
    %add3A_62 = arith.constant 256 : i32
    %add3A_63 = arith.addi %mul3A_61, %add3A_62 : i32
    %dma_wait3A_64 = arith.constant 0 : i32
    %dma_wait3A_65 = tpu.memref_slice %arg17[%add3A_63, %dma_wait3A_64] : memref<10240x128xf32, #tpu.memory_space<vmem_shared>> -> memref<128x128xf32, #tpu.memory_space<vmem_shared>>
    tpu.wait_dma2 semaphore(%arg23 : memref<!tpu.dma_semaphore, #tpu.memory_space<semaphore_mem>>) src(%arg4 : memref<128x128xf32, #tpu.memory_space<hbm>>) dst(%dma_wait3A_65 : memref<128x128xf32, #tpu.memory_space<vmem_shared>>)
    %mul3A_66 = arith.constant 640 : i32
    %mul3A_67 = arith.muli %arg1, %mul3A_66 : i32
    %add3A_68 = arith.constant 384 : i32
    %add3A_69 = arith.addi %mul3A_67, %add3A_68 : i32
    %dma_wait3A_70 = arith.constant 0 : i32
    %dma_wait3A_71 = tpu.memref_slice %arg17[%add3A_69, %dma_wait3A_70] : memref<10240x128xf32, #tpu.memory_space<vmem_shared>> -> memref<128x128xf32, #tpu.memory_space<vmem_shared>>
    tpu.wait_dma2 semaphore(%arg23 : memref<!tpu.dma_semaphore, #tpu.memory_space<semaphore_mem>>) src(%arg4 : memref<128x128xf32, #tpu.memory_space<hbm>>) dst(%dma_wait3A_71 : memref<128x128xf32, #tpu.memory_space<vmem_shared>>)
    %mul3A_72 = arith.constant 640 : i32
    %mul3A_73 = arith.muli %arg1, %mul3A_72 : i32
    %add3A_74 = arith.constant 512 : i32
    %add3A_75 = arith.addi %mul3A_73, %add3A_74 : i32
    %dma_wait3A_76 = arith.constant 0 : i32
    %dma_wait3A_77 = tpu.memref_slice %arg17[%add3A_75, %dma_wait3A_76] : memref<10240x128xf32, #tpu.memory_space<vmem_shared>> -> memref<128x128xf32, #tpu.memory_space<vmem_shared>>
    tpu.wait_dma2 semaphore(%arg23 : memref<!tpu.dma_semaphore, #tpu.memory_space<semaphore_mem>>) src(%arg4 : memref<128x128xf32, #tpu.memory_space<hbm>>) dst(%dma_wait3A_77 : memref<128x128xf32, #tpu.memory_space<vmem_shared>>)
    %dma_wait3A_78 = tpu.memref_slice %arg18[%mul3A_2] : memref<10240xf32, #tpu.memory_space<vmem_shared>> -> memref<640xf32, #tpu.memory_space<vmem_shared>>
    tpu.wait_dma2 semaphore(%arg23 : memref<!tpu.dma_semaphore, #tpu.memory_space<semaphore_mem>>) src(%arg5 : memref<640xf32, #tpu.memory_space<hbm>>) dst(%dma_wait3A_78 : memref<640xf32, #tpu.memory_space<vmem_shared>>)
    %barrier3A = arith.constant 0 : index
    tpu.barrier barrier_id(%barrier3A)
    %get3A = arith.constant 0 : i32
    %get3A_79 = arith.index_cast %get3A : i32 to index
    %get3A_80 = arith.constant 0 : index
    %get3A_81 = tpu.vector_load %arg9[%get3A_79, %get3A_80] {strides = array<i32>} : memref<125x80xi32, #tpu.memory_space<vmem>>, vector<1x16xi32>,
    %get3A_82 = vector.shape_cast %get3A_81 : vector<1x16xi32> to vector<16xi32>
    %and3A = arith.constant 65535 : i32
    %and3A_83 = vector.broadcast %and3A : i32 to vector<16xi32>
    %and3A_84 = arith.andi %get3A_82, %and3A_83 : vector<16xi32>
    %swap3A = arith.constant 0 : index
    %swap3A_85 = tpu.vector_load %arg10[%swap3A] {strides = array<i32>} : memref<80xi32, #tpu.memory_space<vmem>>, vector<16xi32>,
    %swap3A_86 = vector.shape_cast %swap3A_85 : vector<16xi32> to vector<16xi32>
    %swap3A_87 = vector.shape_cast %and3A_84 : vector<16xi32> to vector<16xi32>
    tpu.vector_store %arg10[%swap3A], %swap3A_87 {strides = array<i32>} : memref<80xi32, #tpu.memory_space<vmem>>, vector<16xi32>,
    %shift_right_logical3A = arith.constant 16 : i32
    %shift_right_logical3A_88 = vector.broadcast %shift_right_logical3A : i32 to vector<16xi32>
    %shift_right_logical3A_89 = arith.shrui %get3A_82, %shift_right_logical3A_88 : vector<16xi32>
    %swap3A_90 = arith.constant 0 : index
    %swap3A_91 = tpu.vector_load %arg11[%swap3A_90] {strides = array<i32>} : memref<80xi32, #tpu.memory_space<vmem>>, vector<16xi32>,
    %swap3A_92 = vector.shape_cast %swap3A_91 : vector<16xi32> to vector<16xi32>
    %swap3A_93 = vector.shape_cast %shift_right_logical3A_89 : vector<16xi32> to vector<16xi32>
    tpu.vector_store %arg11[%swap3A_90], %swap3A_93 {strides = array<i32>} : memref<80xi32, #tpu.memory_space<vmem>>, vector<16xi32>,
    %get3A_94 = arith.constant 0 : i32
    %get3A_95 = arith.index_cast %get3A_94 : i32 to index
    %get3A_96 = arith.constant 16 : index
    %get3A_97 = tpu.vector_load %arg9[%get3A_95, %get3A_96] {strides = array<i32>} : memref<125x80xi32, #tpu.memory_space<vmem>>, vector<1x16xi32>,
    %get3A_98 = vector.shape_cast %get3A_97 : vector<1x16xi32> to vector<16xi32>
    %and3A_99 = arith.constant 65535 : i32
    %and3A_100 = vector.broadcast %and3A_99 : i32 to vector<16xi32>
    %and3A_101 = arith.andi %get3A_98, %and3A_100 : vector<16xi32>
    %swap3A_102 = arith.constant 16 : index
    %swap3A_103 = tpu.vector_load %arg10[%swap3A_102] {strides = array<i32>} : memref<80xi32, #tpu.memory_space<vmem>>, vector<16xi32>,
    %swap3A_104 = vector.shape_cast %swap3A_103 : vector<16xi32> to vector<16xi32>
    %swap3A_105 = vector.shape_cast %and3A_101 : vector<16xi32> to vector<16xi32>
    tpu.vector_store %arg10[%swap3A_102], %swap3A_105 {strides = array<i32>} : memref<80xi32, #tpu.memory_space<vmem>>, vector<16xi32>,
    %shift_right_logical3A_106 = arith.constant 16 : i32
    %shift_right_logical3A_107 = vector.broadcast %shift_right_logical3A_106 : i32 to vector<16xi32>
    %shift_right_logical3A_108 = arith.shrui %get3A_98, %shift_right_logical3A_107 : vector<16xi32>
    %swap3A_109 = arith.constant 16 : index
    %swap3A_110 = tpu.vector_load %arg11[%swap3A_109] {strides = array<i32>} : memref<80xi32, #tpu.memory_space<vmem>>, vector<16xi32>,
    %swap3A_111 = vector.shape_cast %swap3A_110 : vector<16xi32> to vector<16xi32>
    %swap3A_112 = vector.shape_cast %shift_right_logical3A_108 : vector<16xi32> to vector<16xi32>
    tpu.vector_store %arg11[%swap3A_109], %swap3A_112 {strides = array<i32>} : memref<80xi32, #tpu.memory_space<vmem>>, vector<16xi32>,
    %get3A_113 = arith.constant 0 : i32
    %get3A_114 = arith.index_cast %get3A_113 : i32 to index
    %get3A_115 = arith.constant 32 : index
    %get3A_116 = tpu.vector_load %arg9[%get3A_114, %get3A_115] {strides = array<i32>} : memref<125x80xi32, #tpu.memory_space<vmem>>, vector<1x16xi32>,
    %get3A_117 = vector.shape_cast %get3A_116 : vector<1x16xi32> to vector<16xi32>
    %and3A_118 = arith.constant 65535 : i32
    %and3A_119 = vector.broadcast %and3A_118 : i32 to vector<16xi32>
    %and3A_120 = arith.andi %get3A_117, %and3A_119 : vector<16xi32>
    %swap3A_121 = arith.constant 32 : index
    %swap3A_122 = tpu.vector_load %arg10[%swap3A_121] {strides = array<i32>} : memref<80xi32, #tpu.memory_space<vmem>>, vector<16xi32>,
    %swap3A_123 = vector.shape_cast %swap3A_122 : vector<16xi32> to vector<16xi32>
    %swap3A_124 = vector.shape_cast %and3A_120 : vector<16xi32> to vector<16xi32>
    tpu.vector_store %arg10[%swap3A_121], %swap3A_124 {strides = array<i32>} : memref<80xi32, #tpu.memory_space<vmem>>, vector<16xi32>,
    %shift_right_logical3A_125 = arith.constant 16 : i32
    %shift_right_logical3A_126 = vector.broadcast %shift_right_logical3A_125 : i32 to vector<16xi32>
    %shift_right_logical3A_127 = arith.shrui %get3A_117, %shift_right_logical3A_126 : vector<16xi32>
    %swap3A_128 = arith.constant 32 : index
    %swap3A_129 = tpu.vector_load %arg11[%swap3A_128] {strides = array<i32>} : memref<80xi32, #tpu.memory_space<vmem>>, vector<16xi32>,
    %swap3A_130 = vector.shape_cast %swap3A_129 : vector<16xi32> to vector<16xi32>
    %swap3A_131 = vector.shape_cast %shift_right_logical3A_127 : vector<16xi32> to vector<16xi32>
    tpu.vector_store %arg11[%swap3A_128], %swap3A_131 {strides = array<i32>} : memref<80xi32, #tpu.memory_space<vmem>>, vector<16xi32>,
    %get3A_132 = arith.constant 0 : i32
    %get3A_133 = arith.index_cast %get3A_132 : i32 to index
    %get3A_134 = arith.constant 48 : index
    %get3A_135 = tpu.vector_load %arg9[%get3A_133, %get3A_134] {strides = array<i32>} : memref<125x80xi32, #tpu.memory_space<vmem>>, vector<1x16xi32>,
    %get3A_136 = vector.shape_cast %get3A_135 : vector<1x16xi32> to vector<16xi32>
    %and3A_137 = arith.constant 65535 : i32
    %and3A_138 = vector.broadcast %and3A_137 : i32 to vector<16xi32>
    %and3A_139 = arith.andi %get3A_136, %and3A_138 : vector<16xi32>
    %swap3A_140 = arith.constant 48 : index
    %swap3A_141 = tpu.vector_load %arg10[%swap3A_140] {strides = array<i32>} : memref<80xi32, #tpu.memory_space<vmem>>, vector<16xi32>,
    %swap3A_142 = vector.shape_cast %swap3A_141 : vector<16xi32> to vector<16xi32>
    %swap3A_143 = vector.shape_cast %and3A_139 : vector<16xi32> to vector<16xi32>
    tpu.vector_store %arg10[%swap3A_140], %swap3A_143 {strides = array<i32>} : memref<80xi32, #tpu.memory_space<vmem>>, vector<16xi32>,
    %shift_right_logical3A_144 = arith.constant 16 : i32
    %shift_right_logical3A_145 = vector.broadcast %shift_right_logical3A_144 : i32 to vector<16xi32>
    %shift_right_logical3A_146 = arith.shrui %get3A_136, %shift_right_logical3A_145 : vector<16xi32>
    %swap3A_147 = arith.constant 48 : index
    %swap3A_148 = tpu.vector_load %arg11[%swap3A_147] {strides = array<i32>} : memref<80xi32, #tpu.memory_space<vmem>>, vector<16xi32>,
    %swap3A_149 = vector.shape_cast %swap3A_148 : vector<16xi32> to vector<16xi32>
    %swap3A_150 = vector.shape_cast %shift_right_logical3A_146 : vector<16xi32> to vector<16xi32>
    tpu.vector_store %arg11[%swap3A_147], %swap3A_150 {strides = array<i32>} : memref<80xi32, #tpu.memory_space<vmem>>, vector<16xi32>,
    %get3A_151 = arith.constant 0 : i32
    %get3A_152 = arith.index_cast %get3A_151 : i32 to index
    %get3A_153 = arith.constant 64 : index
    %get3A_154 = tpu.vector_load %arg9[%get3A_152, %get3A_153] {strides = array<i32>} : memref<125x80xi32, #tpu.memory_space<vmem>>, vector<1x16xi32>,
    %get3A_155 = vector.shape_cast %get3A_154 : vector<1x16xi32> to vector<16xi32>
    %and3A_156 = arith.constant 65535 : i32
    %and3A_157 = vector.broadcast %and3A_156 : i32 to vector<16xi32>
    %and3A_158 = arith.andi %get3A_155, %and3A_157 : vector<16xi32>
    %swap3A_159 = arith.constant 64 : index
    %swap3A_160 = tpu.vector_load %arg10[%swap3A_159] {strides = array<i32>} : memref<80xi32, #tpu.memory_space<vmem>>, vector<16xi32>,
    %swap3A_161 = vector.shape_cast %swap3A_160 : vector<16xi32> to vector<16xi32>
    %swap3A_162 = vector.shape_cast %and3A_158 : vector<16xi32> to vector<16xi32>
    tpu.vector_store %arg10[%swap3A_159], %swap3A_162 {strides = array<i32>} : memref<80xi32, #tpu.memory_space<vmem>>, vector<16xi32>,
    %shift_right_logical3A_163 = arith.constant 16 : i32
    %shift_right_logical3A_164 = vector.broadcast %shift_right_logical3A_163 : i32 to vector<16xi32>
    %shift_right_logical3A_165 = arith.shrui %get3A_155, %shift_right_logical3A_164 : vector<16xi32>
    %swap3A_166 = arith.constant 64 : index
    %swap3A_167 = tpu.vector_load %arg11[%swap3A_166] {strides = array<i32>} : memref<80xi32, #tpu.memory_space<vmem>>, vector<16xi32>,
    %swap3A_168 = vector.shape_cast %swap3A_167 : vector<16xi32> to vector<16xi32>
    %swap3A_169 = vector.shape_cast %shift_right_logical3A_165 : vector<16xi32> to vector<16xi32>
    tpu.vector_store %arg11[%swap3A_166], %swap3A_169 {strides = array<i32>} : memref<80xi32, #tpu.memory_space<vmem>>, vector<16xi32>,
    %dma_start3A_170 = arith.constant 0 : i32
    %dma_start3A_171 = arith.constant 0 : i32
    %dma_start3A_172 = tpu.memref_slice %arg2[%dma_start3A_170, %dma_start3A_171] : memref<10000x128xf32, #tpu.memory_space<hbm>> -> memref<10000x128xf32, #tpu.memory_space<hbm>>
    tpu.enqueue_indirect_dma source(%dma_start3A_172 : memref<10000x128xf32, #tpu.memory_space<hbm>>) target(%arg14 : memref<80x128xf32, #tpu.memory_space<vmem>>) offsets(%arg10 : memref<80xi32, #tpu.memory_space<vmem>>) semaphore(%arg19 : memref<!tpu.dma_semaphore, #tpu.memory_space<semaphore_mem>>)
    %get3A_173 = arith.constant 1 : i32
    %get3A_174 = arith.index_cast %get3A_173 : i32 to index
    %get3A_175 = arith.constant 0 : index
    %get3A_176 = tpu.vector_load %arg9[%get3A_174, %get3A_175] {strides = array<i32>} : memref<125x80xi32, #tpu.memory_space<vmem>>, vector<1x16xi32>,
    %get3A_177 = vector.shape_cast %get3A_176 : vector<1x16xi32> to vector<16xi32>
    %and3A_178 = arith.constant 65535 : i32
    %and3A_179 = vector.broadcast %and3A_178 : i32 to vector<16xi32>
    %and3A_180 = arith.andi %get3A_177, %and3A_179 : vector<16xi32>
    %swap3A_181 = arith.constant 0 : index
    %swap3A_182 = tpu.vector_load %arg12[%swap3A_181] {strides = array<i32>} : memref<80xi32, #tpu.memory_space<vmem>>, vector<16xi32>,
    %swap3A_183 = vector.shape_cast %swap3A_182 : vector<16xi32> to vector<16xi32>
    %swap3A_184 = vector.shape_cast %and3A_180 : vector<16xi32> to vector<16xi32>
    tpu.vector_store %arg12[%swap3A_181], %swap3A_184 {strides = array<i32>} : memref<80xi32, #tpu.memory_space<vmem>>, vector<16xi32>,
    %shift_right_logical3A_185 = arith.constant 16 : i32
    %shift_right_logical3A_186 = vector.broadcast %shift_right_logical3A_185 : i32 to vector<16xi32>
    %shift_right_logical3A_187 = arith.shrui %get3A_177, %shift_right_logical3A_186 : vector<16xi32>
    %swap3A_188 = arith.constant 0 : index
    %swap3A_189 = tpu.vector_load %arg13[%swap3A_188] {strides = array<i32>} : memref<80xi32, #tpu.memory_space<vmem>>, vector<16xi32>,
    %swap3A_190 = vector.shape_cast %swap3A_189 : vector<16xi32> to vector<16xi32>
    %swap3A_191 = vector.shape_cast %shift_right_logical3A_187 : vector<16xi32> to vector<16xi32>
    tpu.vector_store %arg13[%swap3A_188], %swap3A_191 {strides = array<i32>} : memref<80xi32, #tpu.memory_space<vmem>>, vector<16xi32>,
    %get3A_192 = arith.constant 1 : i32
    %get3A_193 = arith.index_cast %get3A_192 : i32 to index
    %get3A_194 = arith.constant 16 : index
    %get3A_195 = tpu.vector_load %arg9[%get3A_193, %get3A_194] {strides = array<i32>} : memref<125x80xi32, #tpu.memory_space<vmem>>, vector<1x16xi32>,
    %get3A_196 = vector.shape_cast %get3A_195 : vector<1x16xi32> to vector<16xi32>
    %and3A_197 = arith.constant 65535 : i32
    %and3A_198 = vector.broadcast %and3A_197 : i32 to vector<16xi32>
    %and3A_199 = arith.andi %get3A_196, %and3A_198 : vector<16xi32>
    %swap3A_200 = arith.constant 16 : index
    %swap3A_201 = tpu.vector_load %arg12[%swap3A_200] {strides = array<i32>} : memref<80xi32, #tpu.memory_space<vmem>>, vector<16xi32>,
    %swap3A_202 = vector.shape_cast %swap3A_201 : vector<16xi32> to vector<16xi32>
    %swap3A_203 = vector.shape_cast %and3A_199 : vector<16xi32> to vector<16xi32>
    tpu.vector_store %arg12[%swap3A_200], %swap3A_203 {strides = array<i32>} : memref<80xi32, #tpu.memory_space<vmem>>, vector<16xi32>,
    %shift_right_logical3A_204 = arith.constant 16 : i32
    %shift_right_logical3A_205 = vector.broadcast %shift_right_logical3A_204 : i32 to vector<16xi32>
    %shift_right_logical3A_206 = arith.shrui %get3A_196, %shift_right_logical3A_205 : vector<16xi32>
    %swap3A_207 = arith.constant 16 : index
    %swap3A_208 = tpu.vector_load %arg13[%swap3A_207] {strides = array<i32>} : memref<80xi32, #tpu.memory_space<vmem>>, vector<16xi32>,
    %swap3A_209 = vector.shape_cast %swap3A_208 : vector<16xi32> to vector<16xi32>
    %swap3A_210 = vector.shape_cast %shift_right_logical3A_206 : vector<16xi32> to vector<16xi32>
    tpu.vector_store %arg13[%swap3A_207], %swap3A_210 {strides = array<i32>} : memref<80xi32, #tpu.memory_space<vmem>>, vector<16xi32>,
    %get3A_211 = arith.constant 1 : i32
    %get3A_212 = arith.index_cast %get3A_211 : i32 to index
    %get3A_213 = arith.constant 32 : index
    %get3A_214 = tpu.vector_load %arg9[%get3A_212, %get3A_213] {strides = array<i32>} : memref<125x80xi32, #tpu.memory_space<vmem>>, vector<1x16xi32>,
    %get3A_215 = vector.shape_cast %get3A_214 : vector<1x16xi32> to vector<16xi32>
    %and3A_216 = arith.constant 65535 : i32
    %and3A_217 = vector.broadcast %and3A_216 : i32 to vector<16xi32>
    %and3A_218 = arith.andi %get3A_215, %and3A_217 : vector<16xi32>
    %swap3A_219 = arith.constant 32 : index
    %swap3A_220 = tpu.vector_load %arg12[%swap3A_219] {strides = array<i32>} : memref<80xi32, #tpu.memory_space<vmem>>, vector<16xi32>,
    %swap3A_221 = vector.shape_cast %swap3A_220 : vector<16xi32> to vector<16xi32>
    %swap3A_222 = vector.shape_cast %and3A_218 : vector<16xi32> to vector<16xi32>
    tpu.vector_store %arg12[%swap3A_219], %swap3A_222 {strides = array<i32>} : memref<80xi32, #tpu.memory_space<vmem>>, vector<16xi32>,
    %shift_right_logical3A_223 = arith.constant 16 : i32
    %shift_right_logical3A_224 = vector.broadcast %shift_right_logical3A_223 : i32 to vector<16xi32>
    %shift_right_logical3A_225 = arith.shrui %get3A_215, %shift_right_logical3A_224 : vector<16xi32>
    %swap3A_226 = arith.constant 32 : index
    %swap3A_227 = tpu.vector_load %arg13[%swap3A_226] {strides = array<i32>} : memref<80xi32, #tpu.memory_space<vmem>>, vector<16xi32>,
    %swap3A_228 = vector.shape_cast %swap3A_227 : vector<16xi32> to vector<16xi32>
    %swap3A_229 = vector.shape_cast %shift_right_logical3A_225 : vector<16xi32> to vector<16xi32>
    tpu.vector_store %arg13[%swap3A_226], %swap3A_229 {strides = array<i32>} : memref<80xi32, #tpu.memory_space<vmem>>, vector<16xi32>,
    %get3A_230 = arith.constant 1 : i32
    %get3A_231 = arith.index_cast %get3A_230 : i32 to index
    %get3A_232 = arith.constant 48 : index
    %get3A_233 = tpu.vector_load %arg9[%get3A_231, %get3A_232] {strides = array<i32>} : memref<125x80xi32, #tpu.memory_space<vmem>>, vector<1x16xi32>,
    %get3A_234 = vector.shape_cast %get3A_233 : vector<1x16xi32> to vector<16xi32>
    %and3A_235 = arith.constant 65535 : i32
    %and3A_236 = vector.broadcast %and3A_235 : i32 to vector<16xi32>
    %and3A_237 = arith.andi %get3A_234, %and3A_236 : vector<16xi32>
    %swap3A_238 = arith.constant 48 : index
    %swap3A_239 = tpu.vector_load %arg12[%swap3A_238] {strides = array<i32>} : memref<80xi32, #tpu.memory_space<vmem>>, vector<16xi32>,
    %swap3A_240 = vector.shape_cast %swap3A_239 : vector<16xi32> to vector<16xi32>
    %swap3A_241 = vector.shape_cast %and3A_237 : vector<16xi32> to vector<16xi32>
    tpu.vector_store %arg12[%swap3A_238], %swap3A_241 {strides = array<i32>} : memref<80xi32, #tpu.memory_space<vmem>>, vector<16xi32>,
    %shift_right_logical3A_242 = arith.constant 16 : i32
    %shift_right_logical3A_243 = vector.broadcast %shift_right_logical3A_242 : i32 to vector<16xi32>
    %shift_right_logical3A_244 = arith.shrui %get3A_234, %shift_right_logical3A_243 : vector<16xi32>
    %swap3A_245 = arith.constant 48 : index
    %swap3A_246 = tpu.vector_load %arg13[%swap3A_245] {strides = array<i32>} : memref<80xi32, #tpu.memory_space<vmem>>, vector<16xi32>,
    %swap3A_247 = vector.shape_cast %swap3A_246 : vector<16xi32> to vector<16xi32>
    %swap3A_248 = vector.shape_cast %shift_right_logical3A_244 : vector<16xi32> to vector<16xi32>
    tpu.vector_store %arg13[%swap3A_245], %swap3A_248 {strides = array<i32>} : memref<80xi32, #tpu.memory_space<vmem>>, vector<16xi32>,
    %get3A_249 = arith.constant 1 : i32
    %get3A_250 = arith.index_cast %get3A_249 : i32 to index
    %get3A_251 = arith.constant 64 : index
    %get3A_252 = tpu.vector_load %arg9[%get3A_250, %get3A_251] {strides = array<i32>} : memref<125x80xi32, #tpu.memory_space<vmem>>, vector<1x16xi32>,
    %get3A_253 = vector.shape_cast %get3A_252 : vector<1x16xi32> to vector<16xi32>
    %and3A_254 = arith.constant 65535 : i32
    %and3A_255 = vector.broadcast %and3A_254 : i32 to vector<16xi32>
    %and3A_256 = arith.andi %get3A_253, %and3A_255 : vector<16xi32>
    %swap3A_257 = arith.constant 64 : index
    %swap3A_258 = tpu.vector_load %arg12[%swap3A_257] {strides = array<i32>} : memref<80xi32, #tpu.memory_space<vmem>>, vector<16xi32>,
    %swap3A_259 = vector.shape_cast %swap3A_258 : vector<16xi32> to vector<16xi32>
    %swap3A_260 = vector.shape_cast %and3A_256 : vector<16xi32> to vector<16xi32>
    tpu.vector_store %arg12[%swap3A_257], %swap3A_260 {strides = array<i32>} : memref<80xi32, #tpu.memory_space<vmem>>, vector<16xi32>,
    %shift_right_logical3A_261 = arith.constant 16 : i32
    %shift_right_logical3A_262 = vector.broadcast %shift_right_logical3A_261 : i32 to vector<16xi32>
    %shift_right_logical3A_263 = arith.shrui %get3A_253, %shift_right_logical3A_262 : vector<16xi32>
    %swap3A_264 = arith.constant 64 : index
    %swap3A_265 = tpu.vector_load %arg13[%swap3A_264] {strides = array<i32>} : memref<80xi32, #tpu.memory_space<vmem>>, vector<16xi32>,
    %swap3A_266 = vector.shape_cast %swap3A_265 : vector<16xi32> to vector<16xi32>
    %swap3A_267 = vector.shape_cast %shift_right_logical3A_263 : vector<16xi32> to vector<16xi32>
    tpu.vector_store %arg13[%swap3A_264], %swap3A_267 {strides = array<i32>} : memref<80xi32, #tpu.memory_space<vmem>>, vector<16xi32>,
    %dma_start3A_268 = arith.constant 0 : i32
    %dma_start3A_269 = arith.constant 0 : i32
    %dma_start3A_270 = tpu.memref_slice %arg2[%dma_start3A_268, %dma_start3A_269] : memref<10000x128xf32, #tpu.memory_space<hbm>> -> memref<10000x128xf32, #tpu.memory_space<hbm>>
    tpu.enqueue_indirect_dma source(%dma_start3A_270 : memref<10000x128xf32, #tpu.memory_space<hbm>>) target(%arg15 : memref<80x128xf32, #tpu.memory_space<vmem>>) offsets(%arg12 : memref<80xi32, #tpu.memory_space<vmem>>) semaphore(%arg20 : memref<!tpu.dma_semaphore, #tpu.memory_space<semaphore_mem>>)
    %scan3A = arith.constant 0 : i32
    %scan3A_271 = arith.constant 0 : i32
    %scan3A_272 = arith.constant 61 : i32
    %scan3A_273 = arith.addi %scan3A_271, %scan3A_272 : i32
    %scan3A_274 = arith.constant 1 : i32
    scf.for %scan3A_430 = %scan3A_271 to %scan3A_273 step %scan3A_274  : i32 {
      %mul3A_431 = arith.constant 2 : i32
      %mul3A_432 = arith.muli %mul3A_431, %scan3A_430 : i32
      %dma_wait3A_433 = arith.constant 0 : i32
      %dma_wait3A_434 = arith.constant 0 : i32
      %dma_wait3A_435 = tpu.memref_slice %arg2[%dma_wait3A_433, %dma_wait3A_434] : memref<10000x128xf32, #tpu.memory_space<hbm>> -> memref<10000x128xf32, #tpu.memory_space<hbm>>
      tpu.wait_indirect_dma semaphore(%arg19 : memref<!tpu.dma_semaphore, #tpu.memory_space<semaphore_mem>>) src(%dma_wait3A_435 : memref<10000x128xf32, #tpu.memory_space<hbm>>) dst(%arg14 : memref<80x128xf32, #tpu.memory_space<vmem>>)
      %dma_start3A_436 = arith.constant 0 : i32
      %dma_start3A_437 = arith.constant 0 : i32
      %dma_start3A_438 = tpu.memref_slice %arg17[%dma_start3A_436, %dma_start3A_437] : memref<10240x128xf32, #tpu.memory_space<vmem_shared>> -> memref<10240x128xf32, #tpu.memory_space<vmem_shared>>
      tpu.enqueue_indirect_dma source(%arg14 : memref<80x128xf32, #tpu.memory_space<vmem>>) target(%dma_start3A_438 : memref<10240x128xf32, #tpu.memory_space<vmem_shared>>) offsets(%arg11 : memref<80xi32, #tpu.memory_space<vmem>>) semaphore(%arg21 : memref<!tpu.dma_semaphore, #tpu.memory_space<semaphore_mem>>) {add = true}
      %dma_start3A_439 = arith.constant 0 : i32
      %dma_start3A_440 = tpu.memref_slice %arg18[%dma_start3A_439] : memref<10240xf32, #tpu.memory_space<vmem_shared>> -> memref<10240xf32, #tpu.memory_space<vmem_shared>>
      tpu.enqueue_indirect_dma source(%arg16 : memref<80xf32, #tpu.memory_space<vmem>>) target(%dma_start3A_440 : memref<10240xf32, #tpu.memory_space<vmem_shared>>) offsets(%arg11 : memref<80xi32, #tpu.memory_space<vmem>>) semaphore(%arg21 : memref<!tpu.dma_semaphore, #tpu.memory_space<semaphore_mem>>) {add = true}
      %dma_wait3A_441 = arith.constant 0 : i32
      %dma_wait3A_442 = arith.constant 0 : i32
      %dma_wait3A_443 = tpu.memref_slice %arg2[%dma_wait3A_441, %dma_wait3A_442] : memref<10000x128xf32, #tpu.memory_space<hbm>> -> memref<10000x128xf32, #tpu.memory_space<hbm>>
      tpu.wait_indirect_dma semaphore(%arg20 : memref<!tpu.dma_semaphore, #tpu.memory_space<semaphore_mem>>) src(%dma_wait3A_443 : memref<10000x128xf32, #tpu.memory_space<hbm>>) dst(%arg15 : memref<80x128xf32, #tpu.memory_space<vmem>>)
      %dma_start3A_444 = arith.constant 0 : i32
      %dma_start3A_445 = arith.constant 0 : i32
      %dma_start3A_446 = tpu.memref_slice %arg17[%dma_start3A_444, %dma_start3A_445] : memref<10240x128xf32, #tpu.memory_space<vmem_shared>> -> memref<10240x128xf32, #tpu.memory_space<vmem_shared>>
      tpu.enqueue_indirect_dma source(%arg15 : memref<80x128xf32, #tpu.memory_space<vmem>>) target(%dma_start3A_446 : memref<10240x128xf32, #tpu.memory_space<vmem_shared>>) offsets(%arg13 : memref<80xi32, #tpu.memory_space<vmem>>) semaphore(%arg22 : memref<!tpu.dma_semaphore, #tpu.memory_space<semaphore_mem>>) {add = true}
      %dma_start3A_447 = arith.constant 0 : i32
      %dma_start3A_448 = tpu.memref_slice %arg18[%dma_start3A_447] : memref<10240xf32, #tpu.memory_space<vmem_shared>> -> memref<10240xf32, #tpu.memory_space<vmem_shared>>
      tpu.enqueue_indirect_dma source(%arg16 : memref<80xf32, #tpu.memory_space<vmem>>) target(%dma_start3A_448 : memref<10240xf32, #tpu.memory_space<vmem_shared>>) offsets(%arg13 : memref<80xi32, #tpu.memory_space<vmem>>) semaphore(%arg22 : memref<!tpu.dma_semaphore, #tpu.memory_space<semaphore_mem>>) {add = true}
      %dma_wait3A_449 = arith.constant 0 : i32
      %dma_wait3A_450 = arith.constant 0 : i32
      %dma_wait3A_451 = tpu.memref_slice %arg17[%dma_wait3A_449, %dma_wait3A_450] : memref<10240x128xf32, #tpu.memory_space<vmem_shared>> -> memref<10240x128xf32, #tpu.memory_space<vmem_shared>>
      tpu.wait_indirect_dma semaphore(%arg21 : memref<!tpu.dma_semaphore, #tpu.memory_space<semaphore_mem>>) src(%arg14 : memref<80x128xf32, #tpu.memory_space<vmem>>) dst(%dma_wait3A_451 : memref<10240x128xf32, #tpu.memory_space<vmem_shared>>)
      %dma_wait3A_452 = arith.constant 0 : i32
      %dma_wait3A_453 = tpu.memref_slice %arg18[%dma_wait3A_452] : memref<10240xf32, #tpu.memory_space<vmem_shared>> -> memref<10240xf32, #tpu.memory_space<vmem_shared>>
      tpu.wait_indirect_dma semaphore(%arg21 : memref<!tpu.dma_semaphore, #tpu.memory_space<semaphore_mem>>) src(%arg16 : memref<80xf32, #tpu.memory_space<vmem>>) dst(%dma_wait3A_453 : memref<10240xf32, #tpu.memory_space<vmem_shared>>)
      %add3A_454 = arith.constant 2 : i32
      %add3A_455 = arith.addi %mul3A_432, %add3A_454 : i32
      %get3A_456 = arith.index_cast %add3A_455 : i32 to index
      %get3A_457 = arith.constant 0 : index
      %get3A_458 = tpu.vector_load %arg9[%get3A_456, %get3A_457] {strides = array<i32>} : memref<125x80xi32, #tpu.memory_space<vmem>>, vector<1x16xi32>,
      %get3A_459 = vector.shape_cast %get3A_458 : vector<1x16xi32> to vector<16xi32>
      %and3A_460 = arith.constant 65535 : i32
      %and3A_461 = vector.broadcast %and3A_460 : i32 to vector<16xi32>
      %and3A_462 = arith.andi %get3A_459, %and3A_461 : vector<16xi32>
      %swap3A_463 = arith.constant 0 : index
      %swap3A_464 = tpu.vector_load %arg10[%swap3A_463] {strides = array<i32>} : memref<80xi32, #tpu.memory_space<vmem>>, vector<16xi32>,
      %swap3A_465 = vector.shape_cast %swap3A_464 : vector<16xi32> to vector<16xi32>
      %swap3A_466 = vector.shape_cast %and3A_462 : vector<16xi32> to vector<16xi32>
      tpu.vector_store %arg10[%swap3A_463], %swap3A_466 {strides = array<i32>} : memref<80xi32, #tpu.memory_space<vmem>>, vector<16xi32>,
      %shift_right_logical3A_467 = arith.constant 16 : i32
      %shift_right_logical3A_468 = vector.broadcast %shift_right_logical3A_467 : i32 to vector<16xi32>
      %shift_right_logical3A_469 = arith.shrui %get3A_459, %shift_right_logical3A_468 : vector<16xi32>
      %swap3A_470 = arith.constant 0 : index
      %swap3A_471 = tpu.vector_load %arg11[%swap3A_470] {strides = array<i32>} : memref<80xi32, #tpu.memory_space<vmem>>, vector<16xi32>,
      %swap3A_472 = vector.shape_cast %swap3A_471 : vector<16xi32> to vector<16xi32>
      %swap3A_473 = vector.shape_cast %shift_right_logical3A_469 : vector<16xi32> to vector<16xi32>
      tpu.vector_store %arg11[%swap3A_470], %swap3A_473 {strides = array<i32>} : memref<80xi32, #tpu.memory_space<vmem>>, vector<16xi32>,
      %get3A_474 = arith.index_cast %add3A_455 : i32 to index
      %get3A_475 = arith.constant 16 : index
      %get3A_476 = tpu.vector_load %arg9[%get3A_474, %get3A_475] {strides = array<i32>} : memref<125x80xi32, #tpu.memory_space<vmem>>, vector<1x16xi32>,
      %get3A_477 = vector.shape_cast %get3A_476 : vector<1x16xi32> to vector<16xi32>
      %and3A_478 = arith.constant 65535 : i32
      %and3A_479 = vector.broadcast %and3A_478 : i32 to vector<16xi32>
      %and3A_480 = arith.andi %get3A_477, %and3A_479 : vector<16xi32>
      %swap3A_481 = arith.constant 16 : index
      %swap3A_482 = tpu.vector_load %arg10[%swap3A_481] {strides = array<i32>} : memref<80xi32, #tpu.memory_space<vmem>>, vector<16xi32>,
      %swap3A_483 = vector.shape_cast %swap3A_482 : vector<16xi32> to vector<16xi32>
      %swap3A_484 = vector.shape_cast %and3A_480 : vector<16xi32> to vector<16xi32>
      tpu.vector_store %arg10[%swap3A_481], %swap3A_484 {strides = array<i32>} : memref<80xi32, #tpu.memory_space<vmem>>, vector<16xi32>,
      %shift_right_logical3A_485 = arith.constant 16 : i32
      %shift_right_logical3A_486 = vector.broadcast %shift_right_logical3A_485 : i32 to vector<16xi32>
      %shift_right_logical3A_487 = arith.shrui %get3A_477, %shift_right_logical3A_486 : vector<16xi32>
      %swap3A_488 = arith.constant 16 : index
      %swap3A_489 = tpu.vector_load %arg11[%swap3A_488] {strides = array<i32>} : memref<80xi32, #tpu.memory_space<vmem>>, vector<16xi32>,
      %swap3A_490 = vector.shape_cast %swap3A_489 : vector<16xi32> to vector<16xi32>
      %swap3A_491 = vector.shape_cast %shift_right_logical3A_487 : vector<16xi32> to vector<16xi32>
      tpu.vector_store %arg11[%swap3A_488], %swap3A_491 {strides = array<i32>} : memref<80xi32, #tpu.memory_space<vmem>>, vector<16xi32>,
      %get3A_492 = arith.index_cast %add3A_455 : i32 to index
      %get3A_493 = arith.constant 32 : index
      %get3A_494 = tpu.vector_load %arg9[%get3A_492, %get3A_493] {strides = array<i32>} : memref<125x80xi32, #tpu.memory_space<vmem>>, vector<1x16xi32>,
      %get3A_495 = vector.shape_cast %get3A_494 : vector<1x16xi32> to vector<16xi32>
      %and3A_496 = arith.constant 65535 : i32
      %and3A_497 = vector.broadcast %and3A_496 : i32 to vector<16xi32>
      %and3A_498 = arith.andi %get3A_495, %and3A_497 : vector<16xi32>
      %swap3A_499 = arith.constant 32 : index
      %swap3A_500 = tpu.vector_load %arg10[%swap3A_499] {strides = array<i32>} : memref<80xi32, #tpu.memory_space<vmem>>, vector<16xi32>,
      %swap3A_501 = vector.shape_cast %swap3A_500 : vector<16xi32> to vector<16xi32>
      %swap3A_502 = vector.shape_cast %and3A_498 : vector<16xi32> to vector<16xi32>
      tpu.vector_store %arg10[%swap3A_499], %swap3A_502 {strides = array<i32>} : memref<80xi32, #tpu.memory_space<vmem>>, vector<16xi32>,
      %shift_right_logical3A_503 = arith.constant 16 : i32
      %shift_right_logical3A_504 = vector.broadcast %shift_right_logical3A_503 : i32 to vector<16xi32>
      %shift_right_logical3A_505 = arith.shrui %get3A_495, %shift_right_logical3A_504 : vector<16xi32>
      %swap3A_506 = arith.constant 32 : index
      %swap3A_507 = tpu.vector_load %arg11[%swap3A_506] {strides = array<i32>} : memref<80xi32, #tpu.memory_space<vmem>>, vector<16xi32>,
      %swap3A_508 = vector.shape_cast %swap3A_507 : vector<16xi32> to vector<16xi32>
      %swap3A_509 = vector.shape_cast %shift_right_logical3A_505 : vector<16xi32> to vector<16xi32>
      tpu.vector_store %arg11[%swap3A_506], %swap3A_509 {strides = array<i32>} : memref<80xi32, #tpu.memory_space<vmem>>, vector<16xi32>,
      %get3A_510 = arith.index_cast %add3A_455 : i32 to index
      %get3A_511 = arith.constant 48 : index
      %get3A_512 = tpu.vector_load %arg9[%get3A_510, %get3A_511] {strides = array<i32>} : memref<125x80xi32, #tpu.memory_space<vmem>>, vector<1x16xi32>,
      %get3A_513 = vector.shape_cast %get3A_512 : vector<1x16xi32> to vector<16xi32>
      %and3A_514 = arith.constant 65535 : i32
      %and3A_515 = vector.broadcast %and3A_514 : i32 to vector<16xi32>
      %and3A_516 = arith.andi %get3A_513, %and3A_515 : vector<16xi32>
      %swap3A_517 = arith.constant 48 : index
      %swap3A_518 = tpu.vector_load %arg10[%swap3A_517] {strides = array<i32>} : memref<80xi32, #tpu.memory_space<vmem>>, vector<16xi32>,
      %swap3A_519 = vector.shape_cast %swap3A_518 : vector<16xi32> to vector<16xi32>
      %swap3A_520 = vector.shape_cast %and3A_516 : vector<16xi32> to vector<16xi32>
      tpu.vector_store %arg10[%swap3A_517], %swap3A_520 {strides = array<i32>} : memref<80xi32, #tpu.memory_space<vmem>>, vector<16xi32>,
      %shift_right_logical3A_521 = arith.constant 16 : i32
      %shift_right_logical3A_522 = vector.broadcast %shift_right_logical3A_521 : i32 to vector<16xi32>
      %shift_right_logical3A_523 = arith.shrui %get3A_513, %shift_right_logical3A_522 : vector<16xi32>
      %swap3A_524 = arith.constant 48 : index
      %swap3A_525 = tpu.vector_load %arg11[%swap3A_524] {strides = array<i32>} : memref<80xi32, #tpu.memory_space<vmem>>, vector<16xi32>,
      %swap3A_526 = vector.shape_cast %swap3A_525 : vector<16xi32> to vector<16xi32>
      %swap3A_527 = vector.shape_cast %shift_right_logical3A_523 : vector<16xi32> to vector<16xi32>
      tpu.vector_store %arg11[%swap3A_524], %swap3A_527 {strides = array<i32>} : memref<80xi32, #tpu.memory_space<vmem>>, vector<16xi32>,
      %get3A_528 = arith.index_cast %add3A_455 : i32 to index
      %get3A_529 = arith.constant 64 : index
      %get3A_530 = tpu.vector_load %arg9[%get3A_528, %get3A_529] {strides = array<i32>} : memref<125x80xi32, #tpu.memory_space<vmem>>, vector<1x16xi32>,
      %get3A_531 = vector.shape_cast %get3A_530 : vector<1x16xi32> to vector<16xi32>
      %and3A_532 = arith.constant 65535 : i32
      %and3A_533 = vector.broadcast %and3A_532 : i32 to vector<16xi32>
      %and3A_534 = arith.andi %get3A_531, %and3A_533 : vector<16xi32>
      %swap3A_535 = arith.constant 64 : index
      %swap3A_536 = tpu.vector_load %arg10[%swap3A_535] {strides = array<i32>} : memref<80xi32, #tpu.memory_space<vmem>>, vector<16xi32>,
      %swap3A_537 = vector.shape_cast %swap3A_536 : vector<16xi32> to vector<16xi32>
      %swap3A_538 = vector.shape_cast %and3A_534 : vector<16xi32> to vector<16xi32>
      tpu.vector_store %arg10[%swap3A_535], %swap3A_538 {strides = array<i32>} : memref<80xi32, #tpu.memory_space<vmem>>, vector<16xi32>,
      %shift_right_logical3A_539 = arith.constant 16 : i32
      %shift_right_logical3A_540 = vector.broadcast %shift_right_logical3A_539 : i32 to vector<16xi32>
      %shift_right_logical3A_541 = arith.shrui %get3A_531, %shift_right_logical3A_540 : vector<16xi32>
      %swap3A_542 = arith.constant 64 : index
      %swap3A_543 = tpu.vector_load %arg11[%swap3A_542] {strides = array<i32>} : memref<80xi32, #tpu.memory_space<vmem>>, vector<16xi32>,
      %swap3A_544 = vector.shape_cast %swap3A_543 : vector<16xi32> to vector<16xi32>
      %swap3A_545 = vector.shape_cast %shift_right_logical3A_541 : vector<16xi32> to vector<16xi32>
      tpu.vector_store %arg11[%swap3A_542], %swap3A_545 {strides = array<i32>} : memref<80xi32, #tpu.memory_space<vmem>>, vector<16xi32>,
      %dma_start3A_546 = arith.constant 0 : i32
      %dma_start3A_547 = arith.constant 0 : i32
      %dma_start3A_548 = tpu.memref_slice %arg2[%dma_start3A_546, %dma_start3A_547] : memref<10000x128xf32, #tpu.memory_space<hbm>> -> memref<10000x128xf32, #tpu.memory_space<hbm>>
      tpu.enqueue_indirect_dma source(%dma_start3A_548 : memref<10000x128xf32, #tpu.memory_space<hbm>>) target(%arg14 : memref<80x128xf32, #tpu.memory_space<vmem>>) offsets(%arg10 : memref<80xi32, #tpu.memory_space<vmem>>) semaphore(%arg19 : memref<!tpu.dma_semaphore, #tpu.memory_space<semaphore_mem>>)
      %dma_wait3A_549 = arith.constant 0 : i32
      %dma_wait3A_550 = arith.constant 0 : i32
      %dma_wait3A_551 = tpu.memref_slice %arg17[%dma_wait3A_549, %dma_wait3A_550] : memref<10240x128xf32, #tpu.memory_space<vmem_shared>> -> memref<10240x128xf32, #tpu.memory_space<vmem_shared>>
      tpu.wait_indirect_dma semaphore(%arg22 : memref<!tpu.dma_semaphore, #tpu.memory_space<semaphore_mem>>) src(%arg15 : memref<80x128xf32, #tpu.memory_space<vmem>>) dst(%dma_wait3A_551 : memref<10240x128xf32, #tpu.memory_space<vmem_shared>>)
      %dma_wait3A_552 = arith.constant 0 : i32
      %dma_wait3A_553 = tpu.memref_slice %arg18[%dma_wait3A_552] : memref<10240xf32, #tpu.memory_space<vmem_shared>> -> memref<10240xf32, #tpu.memory_space<vmem_shared>>
      tpu.wait_indirect_dma semaphore(%arg22 : memref<!tpu.dma_semaphore, #tpu.memory_space<semaphore_mem>>) src(%arg16 : memref<80xf32, #tpu.memory_space<vmem>>) dst(%dma_wait3A_553 : memref<10240xf32, #tpu.memory_space<vmem_shared>>)
      %add3A_554 = arith.constant 3 : i32
      %add3A_555 = arith.addi %mul3A_432, %add3A_554 : i32
      %get3A_556 = arith.index_cast %add3A_555 : i32 to index
      %get3A_557 = arith.constant 0 : index
      %get3A_558 = tpu.vector_load %arg9[%get3A_556, %get3A_557] {strides = array<i32>} : memref<125x80xi32, #tpu.memory_space<vmem>>, vector<1x16xi32>,
      %get3A_559 = vector.shape_cast %get3A_558 : vector<1x16xi32> to vector<16xi32>
      %and3A_560 = arith.constant 65535 : i32
      %and3A_561 = vector.broadcast %and3A_560 : i32 to vector<16xi32>
      %and3A_562 = arith.andi %get3A_559, %and3A_561 : vector<16xi32>
      %swap3A_563 = arith.constant 0 : index
      %swap3A_564 = tpu.vector_load %arg12[%swap3A_563] {strides = array<i32>} : memref<80xi32, #tpu.memory_space<vmem>>, vector<16xi32>,
      %swap3A_565 = vector.shape_cast %swap3A_564 : vector<16xi32> to vector<16xi32>
      %swap3A_566 = vector.shape_cast %and3A_562 : vector<16xi32> to vector<16xi32>
      tpu.vector_store %arg12[%swap3A_563], %swap3A_566 {strides = array<i32>} : memref<80xi32, #tpu.memory_space<vmem>>, vector<16xi32>,
      %shift_right_logical3A_567 = arith.constant 16 : i32
      %shift_right_logical3A_568 = vector.broadcast %shift_right_logical3A_567 : i32 to vector<16xi32>
      %shift_right_logical3A_569 = arith.shrui %get3A_559, %shift_right_logical3A_568 : vector<16xi32>
      %swap3A_570 = arith.constant 0 : index
      %swap3A_571 = tpu.vector_load %arg13[%swap3A_570] {strides = array<i32>} : memref<80xi32, #tpu.memory_space<vmem>>, vector<16xi32>,
      %swap3A_572 = vector.shape_cast %swap3A_571 : vector<16xi32> to vector<16xi32>
      %swap3A_573 = vector.shape_cast %shift_right_logical3A_569 : vector<16xi32> to vector<16xi32>
      tpu.vector_store %arg13[%swap3A_570], %swap3A_573 {strides = array<i32>} : memref<80xi32, #tpu.memory_space<vmem>>, vector<16xi32>,
      %get3A_574 = arith.index_cast %add3A_555 : i32 to index
      %get3A_575 = arith.constant 16 : index
      %get3A_576 = tpu.vector_load %arg9[%get3A_574, %get3A_575] {strides = array<i32>} : memref<125x80xi32, #tpu.memory_space<vmem>>, vector<1x16xi32>,
      %get3A_577 = vector.shape_cast %get3A_576 : vector<1x16xi32> to vector<16xi32>
      %and3A_578 = arith.constant 65535 : i32
      %and3A_579 = vector.broadcast %and3A_578 : i32 to vector<16xi32>
      %and3A_580 = arith.andi %get3A_577, %and3A_579 : vector<16xi32>
      %swap3A_581 = arith.constant 16 : index
      %swap3A_582 = tpu.vector_load %arg12[%swap3A_581] {strides = array<i32>} : memref<80xi32, #tpu.memory_space<vmem>>, vector<16xi32>,
      %swap3A_583 = vector.shape_cast %swap3A_582 : vector<16xi32> to vector<16xi32>
      %swap3A_584 = vector.shape_cast %and3A_580 : vector<16xi32> to vector<16xi32>
      tpu.vector_store %arg12[%swap3A_581], %swap3A_584 {strides = array<i32>} : memref<80xi32, #tpu.memory_space<vmem>>, vector<16xi32>,
      %shift_right_logical3A_585 = arith.constant 16 : i32
      %shift_right_logical3A_586 = vector.broadcast %shift_right_logical3A_585 : i32 to vector<16xi32>
      %shift_right_logical3A_587 = arith.shrui %get3A_577, %shift_right_logical3A_586 : vector<16xi32>
      %swap3A_588 = arith.constant 16 : index
      %swap3A_589 = tpu.vector_load %arg13[%swap3A_588] {strides = array<i32>} : memref<80xi32, #tpu.memory_space<vmem>>, vector<16xi32>,
      %swap3A_590 = vector.shape_cast %swap3A_589 : vector<16xi32> to vector<16xi32>
      %swap3A_591 = vector.shape_cast %shift_right_logical3A_587 : vector<16xi32> to vector<16xi32>
      tpu.vector_store %arg13[%swap3A_588], %swap3A_591 {strides = array<i32>} : memref<80xi32, #tpu.memory_space<vmem>>, vector<16xi32>,
      %get3A_592 = arith.index_cast %add3A_555 : i32 to index
      %get3A_593 = arith.constant 32 : index
      %get3A_594 = tpu.vector_load %arg9[%get3A_592, %get3A_593] {strides = array<i32>} : memref<125x80xi32, #tpu.memory_space<vmem>>, vector<1x16xi32>,
      %get3A_595 = vector.shape_cast %get3A_594 : vector<1x16xi32> to vector<16xi32>
      %and3A_596 = arith.constant 65535 : i32
      %and3A_597 = vector.broadcast %and3A_596 : i32 to vector<16xi32>
      %and3A_598 = arith.andi %get3A_595, %and3A_597 : vector<16xi32>
      %swap3A_599 = arith.constant 32 : index
      %swap3A_600 = tpu.vector_load %arg12[%swap3A_599] {strides = array<i32>} : memref<80xi32, #tpu.memory_space<vmem>>, vector<16xi32>,
      %swap3A_601 = vector.shape_cast %swap3A_600 : vector<16xi32> to vector<16xi32>
      %swap3A_602 = vector.shape_cast %and3A_598 : vector<16xi32> to vector<16xi32>
      tpu.vector_store %arg12[%swap3A_599], %swap3A_602 {strides = array<i32>} : memref<80xi32, #tpu.memory_space<vmem>>, vector<16xi32>,
      %shift_right_logical3A_603 = arith.constant 16 : i32
      %shift_right_logical3A_604 = vector.broadcast %shift_right_logical3A_603 : i32 to vector<16xi32>
      %shift_right_logical3A_605 = arith.shrui %get3A_595, %shift_right_logical3A_604 : vector<16xi32>
      %swap3A_606 = arith.constant 32 : index
      %swap3A_607 = tpu.vector_load %arg13[%swap3A_606] {strides = array<i32>} : memref<80xi32, #tpu.memory_space<vmem>>, vector<16xi32>,
      %swap3A_608 = vector.shape_cast %swap3A_607 : vector<16xi32> to vector<16xi32>
      %swap3A_609 = vector.shape_cast %shift_right_logical3A_605 : vector<16xi32> to vector<16xi32>
      tpu.vector_store %arg13[%swap3A_606], %swap3A_609 {strides = array<i32>} : memref<80xi32, #tpu.memory_space<vmem>>, vector<16xi32>,
      %get3A_610 = arith.index_cast %add3A_555 : i32 to index
      %get3A_611 = arith.constant 48 : index
      %get3A_612 = tpu.vector_load %arg9[%get3A_610, %get3A_611] {strides = array<i32>} : memref<125x80xi32, #tpu.memory_space<vmem>>, vector<1x16xi32>,
      %get3A_613 = vector.shape_cast %get3A_612 : vector<1x16xi32> to vector<16xi32>
      %and3A_614 = arith.constant 65535 : i32
      %and3A_615 = vector.broadcast %and3A_614 : i32 to vector<16xi32>
      %and3A_616 = arith.andi %get3A_613, %and3A_615 : vector<16xi32>
      %swap3A_617 = arith.constant 48 : index
      %swap3A_618 = tpu.vector_load %arg12[%swap3A_617] {strides = array<i32>} : memref<80xi32, #tpu.memory_space<vmem>>, vector<16xi32>,
      %swap3A_619 = vector.shape_cast %swap3A_618 : vector<16xi32> to vector<16xi32>
      %swap3A_620 = vector.shape_cast %and3A_616 : vector<16xi32> to vector<16xi32>
      tpu.vector_store %arg12[%swap3A_617], %swap3A_620 {strides = array<i32>} : memref<80xi32, #tpu.memory_space<vmem>>, vector<16xi32>,
      %shift_right_logical3A_621 = arith.constant 16 : i32
      %shift_right_logical3A_622 = vector.broadcast %shift_right_logical3A_621 : i32 to vector<16xi32>
      %shift_right_logical3A_623 = arith.shrui %get3A_613, %shift_right_logical3A_622 : vector<16xi32>
      %swap3A_624 = arith.constant 48 : index
      %swap3A_625 = tpu.vector_load %arg13[%swap3A_624] {strides = array<i32>} : memref<80xi32, #tpu.memory_space<vmem>>, vector<16xi32>,
      %swap3A_626 = vector.shape_cast %swap3A_625 : vector<16xi32> to vector<16xi32>
      %swap3A_627 = vector.shape_cast %shift_right_logical3A_623 : vector<16xi32> to vector<16xi32>
      tpu.vector_store %arg13[%swap3A_624], %swap3A_627 {strides = array<i32>} : memref<80xi32, #tpu.memory_space<vmem>>, vector<16xi32>,
      %get3A_628 = arith.index_cast %add3A_555 : i32 to index
      %get3A_629 = arith.constant 64 : index
      %get3A_630 = tpu.vector_load %arg9[%get3A_628, %get3A_629] {strides = array<i32>} : memref<125x80xi32, #tpu.memory_space<vmem>>, vector<1x16xi32>,
      %get3A_631 = vector.shape_cast %get3A_630 : vector<1x16xi32> to vector<16xi32>
      %and3A_632 = arith.constant 65535 : i32
      %and3A_633 = vector.broadcast %and3A_632 : i32 to vector<16xi32>
      %and3A_634 = arith.andi %get3A_631, %and3A_633 : vector<16xi32>
      %swap3A_635 = arith.constant 64 : index
      %swap3A_636 = tpu.vector_load %arg12[%swap3A_635] {strides = array<i32>} : memref<80xi32, #tpu.memory_space<vmem>>, vector<16xi32>,
      %swap3A_637 = vector.shape_cast %swap3A_636 : vector<16xi32> to vector<16xi32>
      %swap3A_638 = vector.shape_cast %and3A_634 : vector<16xi32> to vector<16xi32>
      tpu.vector_store %arg12[%swap3A_635], %swap3A_638 {strides = array<i32>} : memref<80xi32, #tpu.memory_space<vmem>>, vector<16xi32>,
      %shift_right_logical3A_639 = arith.constant 16 : i32
      %shift_right_logical3A_640 = vector.broadcast %shift_right_logical3A_639 : i32 to vector<16xi32>
      %shift_right_logical3A_641 = arith.shrui %get3A_631, %shift_right_logical3A_640 : vector<16xi32>
      %swap3A_642 = arith.constant 64 : index
      %swap3A_643 = tpu.vector_load %arg13[%swap3A_642] {strides = array<i32>} : memref<80xi32, #tpu.memory_space<vmem>>, vector<16xi32>,
      %swap3A_644 = vector.shape_cast %swap3A_643 : vector<16xi32> to vector<16xi32>
      %swap3A_645 = vector.shape_cast %shift_right_logical3A_641 : vector<16xi32> to vector<16xi32>
      tpu.vector_store %arg13[%swap3A_642], %swap3A_645 {strides = array<i32>} : memref<80xi32, #tpu.memory_space<vmem>>, vector<16xi32>,
      %dma_start3A_646 = arith.constant 0 : i32
      %dma_start3A_647 = arith.constant 0 : i32
      %dma_start3A_648 = tpu.memref_slice %arg2[%dma_start3A_646, %dma_start3A_647] : memref<10000x128xf32, #tpu.memory_space<hbm>> -> memref<10000x128xf32, #tpu.memory_space<hbm>>
      tpu.enqueue_indirect_dma source(%dma_start3A_648 : memref<10000x128xf32, #tpu.memory_space<hbm>>) target(%arg15 : memref<80x128xf32, #tpu.memory_space<vmem>>) offsets(%arg12 : memref<80xi32, #tpu.memory_space<vmem>>) semaphore(%arg20 : memref<!tpu.dma_semaphore, #tpu.memory_space<semaphore_mem>>)
    }
    %scan3A_275 = arith.constant 61 : i32
    %dma_wait3A_276 = arith.constant 0 : i32
    %dma_wait3A_277 = arith.constant 0 : i32
    %dma_wait3A_278 = tpu.memref_slice %arg2[%dma_wait3A_276, %dma_wait3A_277] : memref<10000x128xf32, #tpu.memory_space<hbm>> -> memref<10000x128xf32, #tpu.memory_space<hbm>>
    tpu.wait_indirect_dma semaphore(%arg19 : memref<!tpu.dma_semaphore, #tpu.memory_space<semaphore_mem>>) src(%dma_wait3A_278 : memref<10000x128xf32, #tpu.memory_space<hbm>>) dst(%arg14 : memref<80x128xf32, #tpu.memory_space<vmem>>)
    %dma_start3A_279 = arith.constant 0 : i32
    %dma_start3A_280 = arith.constant 0 : i32
    %dma_start3A_281 = tpu.memref_slice %arg17[%dma_start3A_279, %dma_start3A_280] : memref<10240x128xf32, #tpu.memory_space<vmem_shared>> -> memref<10240x128xf32, #tpu.memory_space<vmem_shared>>
    tpu.enqueue_indirect_dma source(%arg14 : memref<80x128xf32, #tpu.memory_space<vmem>>) target(%dma_start3A_281 : memref<10240x128xf32, #tpu.memory_space<vmem_shared>>) offsets(%arg11 : memref<80xi32, #tpu.memory_space<vmem>>) semaphore(%arg21 : memref<!tpu.dma_semaphore, #tpu.memory_space<semaphore_mem>>) {add = true}
    %dma_start3A_282 = arith.constant 0 : i32
    %dma_start3A_283 = tpu.memref_slice %arg18[%dma_start3A_282] : memref<10240xf32, #tpu.memory_space<vmem_shared>> -> memref<10240xf32, #tpu.memory_space<vmem_shared>>
    tpu.enqueue_indirect_dma source(%arg16 : memref<80xf32, #tpu.memory_space<vmem>>) target(%dma_start3A_283 : memref<10240xf32, #tpu.memory_space<vmem_shared>>) offsets(%arg11 : memref<80xi32, #tpu.memory_space<vmem>>) semaphore(%arg21 : memref<!tpu.dma_semaphore, #tpu.memory_space<semaphore_mem>>) {add = true}
    %dma_wait3A_284 = arith.constant 0 : i32
    %dma_wait3A_285 = arith.constant 0 : i32
    %dma_wait3A_286 = tpu.memref_slice %arg2[%dma_wait3A_284, %dma_wait3A_285] : memref<10000x128xf32, #tpu.memory_space<hbm>> -> memref<10000x128xf32, #tpu.memory_space<hbm>>
    tpu.wait_indirect_dma semaphore(%arg20 : memref<!tpu.dma_semaphore, #tpu.memory_space<semaphore_mem>>) src(%dma_wait3A_286 : memref<10000x128xf32, #tpu.memory_space<hbm>>) dst(%arg15 : memref<80x128xf32, #tpu.memory_space<vmem>>)
    %dma_start3A_287 = arith.constant 0 : i32
    %dma_start3A_288 = arith.constant 0 : i32
    %dma_start3A_289 = tpu.memref_slice %arg17[%dma_start3A_287, %dma_start3A_288] : memref<10240x128xf32, #tpu.memory_space<vmem_shared>> -> memref<10240x128xf32, #tpu.memory_space<vmem_shared>>
    tpu.enqueue_indirect_dma source(%arg15 : memref<80x128xf32, #tpu.memory_space<vmem>>) target(%dma_start3A_289 : memref<10240x128xf32, #tpu.memory_space<vmem_shared>>) offsets(%arg13 : memref<80xi32, #tpu.memory_space<vmem>>) semaphore(%arg22 : memref<!tpu.dma_semaphore, #tpu.memory_space<semaphore_mem>>) {add = true}
    %dma_start3A_290 = arith.constant 0 : i32
    %dma_start3A_291 = tpu.memref_slice %arg18[%dma_start3A_290] : memref<10240xf32, #tpu.memory_space<vmem_shared>> -> memref<10240xf32, #tpu.memory_space<vmem_shared>>
    tpu.enqueue_indirect_dma source(%arg16 : memref<80xf32, #tpu.memory_space<vmem>>) target(%dma_start3A_291 : memref<10240xf32, #tpu.memory_space<vmem_shared>>) offsets(%arg13 : memref<80xi32, #tpu.memory_space<vmem>>) semaphore(%arg22 : memref<!tpu.dma_semaphore, #tpu.memory_space<semaphore_mem>>) {add = true}
    %dma_wait3A_292 = arith.constant 0 : i32
    %dma_wait3A_293 = arith.constant 0 : i32
    %dma_wait3A_294 = tpu.memref_slice %arg17[%dma_wait3A_292, %dma_wait3A_293] : memref<10240x128xf32, #tpu.memory_space<vmem_shared>> -> memref<10240x128xf32, #tpu.memory_space<vmem_shared>>
    tpu.wait_indirect_dma semaphore(%arg21 : memref<!tpu.dma_semaphore, #tpu.memory_space<semaphore_mem>>) src(%arg14 : memref<80x128xf32, #tpu.memory_space<vmem>>) dst(%dma_wait3A_294 : memref<10240x128xf32, #tpu.memory_space<vmem_shared>>)
    %dma_wait3A_295 = arith.constant 0 : i32
    %dma_wait3A_296 = tpu.memref_slice %arg18[%dma_wait3A_295] : memref<10240xf32, #tpu.memory_space<vmem_shared>> -> memref<10240xf32, #tpu.memory_space<vmem_shared>>
    tpu.wait_indirect_dma semaphore(%arg21 : memref<!tpu.dma_semaphore, #tpu.memory_space<semaphore_mem>>) src(%arg16 : memref<80xf32, #tpu.memory_space<vmem>>) dst(%dma_wait3A_296 : memref<10240xf32, #tpu.memory_space<vmem_shared>>)
    %get3A_297 = arith.constant 124 : i32
    %get3A_298 = arith.index_cast %get3A_297 : i32 to index
    %get3A_299 = arith.constant 0 : index
    %get3A_300 = tpu.vector_load %arg9[%get3A_298, %get3A_299] {strides = array<i32>} : memref<125x80xi32, #tpu.memory_space<vmem>>, vector<1x16xi32>,
    %get3A_301 = vector.shape_cast %get3A_300 : vector<1x16xi32> to vector<16xi32>
    %and3A_302 = arith.constant 65535 : i32
    %and3A_303 = vector.broadcast %and3A_302 : i32 to vector<16xi32>
    %and3A_304 = arith.andi %get3A_301, %and3A_303 : vector<16xi32>
    %swap3A_305 = arith.constant 0 : index
    %swap3A_306 = tpu.vector_load %arg10[%swap3A_305] {strides = array<i32>} : memref<80xi32, #tpu.memory_space<vmem>>, vector<16xi32>,
    %swap3A_307 = vector.shape_cast %swap3A_306 : vector<16xi32> to vector<16xi32>
    %swap3A_308 = vector.shape_cast %and3A_304 : vector<16xi32> to vector<16xi32>
    tpu.vector_store %arg10[%swap3A_305], %swap3A_308 {strides = array<i32>} : memref<80xi32, #tpu.memory_space<vmem>>, vector<16xi32>,
    %shift_right_logical3A_309 = arith.constant 16 : i32
    %shift_right_logical3A_310 = vector.broadcast %shift_right_logical3A_309 : i32 to vector<16xi32>
    %shift_right_logical3A_311 = arith.shrui %get3A_301, %shift_right_logical3A_310 : vector<16xi32>
    %swap3A_312 = arith.constant 0 : index
    %swap3A_313 = tpu.vector_load %arg11[%swap3A_312] {strides = array<i32>} : memref<80xi32, #tpu.memory_space<vmem>>, vector<16xi32>,
    %swap3A_314 = vector.shape_cast %swap3A_313 : vector<16xi32> to vector<16xi32>
    %swap3A_315 = vector.shape_cast %shift_right_logical3A_311 : vector<16xi32> to vector<16xi32>
    tpu.vector_store %arg11[%swap3A_312], %swap3A_315 {strides = array<i32>} : memref<80xi32, #tpu.memory_space<vmem>>, vector<16xi32>,
    %get3A_316 = arith.constant 124 : i32
    %get3A_317 = arith.index_cast %get3A_316 : i32 to index
    %get3A_318 = arith.constant 16 : index
    %get3A_319 = tpu.vector_load %arg9[%get3A_317, %get3A_318] {strides = array<i32>} : memref<125x80xi32, #tpu.memory_space<vmem>>, vector<1x16xi32>,
    %get3A_320 = vector.shape_cast %get3A_319 : vector<1x16xi32> to vector<16xi32>
    %and3A_321 = arith.constant 65535 : i32
    %and3A_322 = vector.broadcast %and3A_321 : i32 to vector<16xi32>
    %and3A_323 = arith.andi %get3A_320, %and3A_322 : vector<16xi32>
    %swap3A_324 = arith.constant 16 : index
    %swap3A_325 = tpu.vector_load %arg10[%swap3A_324] {strides = array<i32>} : memref<80xi32, #tpu.memory_space<vmem>>, vector<16xi32>,
    %swap3A_326 = vector.shape_cast %swap3A_325 : vector<16xi32> to vector<16xi32>
    %swap3A_327 = vector.shape_cast %and3A_323 : vector<16xi32> to vector<16xi32>
    tpu.vector_store %arg10[%swap3A_324], %swap3A_327 {strides = array<i32>} : memref<80xi32, #tpu.memory_space<vmem>>, vector<16xi32>,
    %shift_right_logical3A_328 = arith.constant 16 : i32
    %shift_right_logical3A_329 = vector.broadcast %shift_right_logical3A_328 : i32 to vector<16xi32>
    %shift_right_logical3A_330 = arith.shrui %get3A_320, %shift_right_logical3A_329 : vector<16xi32>
    %swap3A_331 = arith.constant 16 : index
    %swap3A_332 = tpu.vector_load %arg11[%swap3A_331] {strides = array<i32>} : memref<80xi32, #tpu.memory_space<vmem>>, vector<16xi32>,
    %swap3A_333 = vector.shape_cast %swap3A_332 : vector<16xi32> to vector<16xi32>
    %swap3A_334 = vector.shape_cast %shift_right_logical3A_330 : vector<16xi32> to vector<16xi32>
    tpu.vector_store %arg11[%swap3A_331], %swap3A_334 {strides = array<i32>} : memref<80xi32, #tpu.memory_space<vmem>>, vector<16xi32>,
    %get3A_335 = arith.constant 124 : i32
    %get3A_336 = arith.index_cast %get3A_335 : i32 to index
    %get3A_337 = arith.constant 32 : index
    %get3A_338 = tpu.vector_load %arg9[%get3A_336, %get3A_337] {strides = array<i32>} : memref<125x80xi32, #tpu.memory_space<vmem>>, vector<1x16xi32>,
    %get3A_339 = vector.shape_cast %get3A_338 : vector<1x16xi32> to vector<16xi32>
    %and3A_340 = arith.constant 65535 : i32
    %and3A_341 = vector.broadcast %and3A_340 : i32 to vector<16xi32>
    %and3A_342 = arith.andi %get3A_339, %and3A_341 : vector<16xi32>
    %swap3A_343 = arith.constant 32 : index
    %swap3A_344 = tpu.vector_load %arg10[%swap3A_343] {strides = array<i32>} : memref<80xi32, #tpu.memory_space<vmem>>, vector<16xi32>,
    %swap3A_345 = vector.shape_cast %swap3A_344 : vector<16xi32> to vector<16xi32>
    %swap3A_346 = vector.shape_cast %and3A_342 : vector<16xi32> to vector<16xi32>
    tpu.vector_store %arg10[%swap3A_343], %swap3A_346 {strides = array<i32>} : memref<80xi32, #tpu.memory_space<vmem>>, vector<16xi32>,
    %shift_right_logical3A_347 = arith.constant 16 : i32
    %shift_right_logical3A_348 = vector.broadcast %shift_right_logical3A_347 : i32 to vector<16xi32>
    %shift_right_logical3A_349 = arith.shrui %get3A_339, %shift_right_logical3A_348 : vector<16xi32>
    %swap3A_350 = arith.constant 32 : index
    %swap3A_351 = tpu.vector_load %arg11[%swap3A_350] {strides = array<i32>} : memref<80xi32, #tpu.memory_space<vmem>>, vector<16xi32>,
    %swap3A_352 = vector.shape_cast %swap3A_351 : vector<16xi32> to vector<16xi32>
    %swap3A_353 = vector.shape_cast %shift_right_logical3A_349 : vector<16xi32> to vector<16xi32>
    tpu.vector_store %arg11[%swap3A_350], %swap3A_353 {strides = array<i32>} : memref<80xi32, #tpu.memory_space<vmem>>, vector<16xi32>,
    %get3A_354 = arith.constant 124 : i32
    %get3A_355 = arith.index_cast %get3A_354 : i32 to index
    %get3A_356 = arith.constant 48 : index
    %get3A_357 = tpu.vector_load %arg9[%get3A_355, %get3A_356] {strides = array<i32>} : memref<125x80xi32, #tpu.memory_space<vmem>>, vector<1x16xi32>,
    %get3A_358 = vector.shape_cast %get3A_357 : vector<1x16xi32> to vector<16xi32>
    %and3A_359 = arith.constant 65535 : i32
    %and3A_360 = vector.broadcast %and3A_359 : i32 to vector<16xi32>
    %and3A_361 = arith.andi %get3A_358, %and3A_360 : vector<16xi32>
    %swap3A_362 = arith.constant 48 : index
    %swap3A_363 = tpu.vector_load %arg10[%swap3A_362] {strides = array<i32>} : memref<80xi32, #tpu.memory_space<vmem>>, vector<16xi32>,
    %swap3A_364 = vector.shape_cast %swap3A_363 : vector<16xi32> to vector<16xi32>
    %swap3A_365 = vector.shape_cast %and3A_361 : vector<16xi32> to vector<16xi32>
    tpu.vector_store %arg10[%swap3A_362], %swap3A_365 {strides = array<i32>} : memref<80xi32, #tpu.memory_space<vmem>>, vector<16xi32>,
    %shift_right_logical3A_366 = arith.constant 16 : i32
    %shift_right_logical3A_367 = vector.broadcast %shift_right_logical3A_366 : i32 to vector<16xi32>
    %shift_right_logical3A_368 = arith.shrui %get3A_358, %shift_right_logical3A_367 : vector<16xi32>
    %swap3A_369 = arith.constant 48 : index
    %swap3A_370 = tpu.vector_load %arg11[%swap3A_369] {strides = array<i32>} : memref<80xi32, #tpu.memory_space<vmem>>, vector<16xi32>,
    %swap3A_371 = vector.shape_cast %swap3A_370 : vector<16xi32> to vector<16xi32>
    %swap3A_372 = vector.shape_cast %shift_right_logical3A_368 : vector<16xi32> to vector<16xi32>
    tpu.vector_store %arg11[%swap3A_369], %swap3A_372 {strides = array<i32>} : memref<80xi32, #tpu.memory_space<vmem>>, vector<16xi32>,
    %get3A_373 = arith.constant 124 : i32
    %get3A_374 = arith.index_cast %get3A_373 : i32 to index
    %get3A_375 = arith.constant 64 : index
    %get3A_376 = tpu.vector_load %arg9[%get3A_374, %get3A_375] {strides = array<i32>} : memref<125x80xi32, #tpu.memory_space<vmem>>, vector<1x16xi32>,
    %get3A_377 = vector.shape_cast %get3A_376 : vector<1x16xi32> to vector<16xi32>
    %and3A_378 = arith.constant 65535 : i32
    %and3A_379 = vector.broadcast %and3A_378 : i32 to vector<16xi32>
    %and3A_380 = arith.andi %get3A_377, %and3A_379 : vector<16xi32>
    %swap3A_381 = arith.constant 64 : index
    %swap3A_382 = tpu.vector_load %arg10[%swap3A_381] {strides = array<i32>} : memref<80xi32, #tpu.memory_space<vmem>>, vector<16xi32>,
    %swap3A_383 = vector.shape_cast %swap3A_382 : vector<16xi32> to vector<16xi32>
    %swap3A_384 = vector.shape_cast %and3A_380 : vector<16xi32> to vector<16xi32>
    tpu.vector_store %arg10[%swap3A_381], %swap3A_384 {strides = array<i32>} : memref<80xi32, #tpu.memory_space<vmem>>, vector<16xi32>,
    %shift_right_logical3A_385 = arith.constant 16 : i32
    %shift_right_logical3A_386 = vector.broadcast %shift_right_logical3A_385 : i32 to vector<16xi32>
    %shift_right_logical3A_387 = arith.shrui %get3A_377, %shift_right_logical3A_386 : vector<16xi32>
    %swap3A_388 = arith.constant 64 : index
    %swap3A_389 = tpu.vector_load %arg11[%swap3A_388] {strides = array<i32>} : memref<80xi32, #tpu.memory_space<vmem>>, vector<16xi32>,
    %swap3A_390 = vector.shape_cast %swap3A_389 : vector<16xi32> to vector<16xi32>
    %swap3A_391 = vector.shape_cast %shift_right_logical3A_387 : vector<16xi32> to vector<16xi32>
    tpu.vector_store %arg11[%swap3A_388], %swap3A_391 {strides = array<i32>} : memref<80xi32, #tpu.memory_space<vmem>>, vector<16xi32>,
    %dma_start3A_392 = arith.constant 0 : i32
    %dma_start3A_393 = arith.constant 0 : i32
    %dma_start3A_394 = tpu.memref_slice %arg2[%dma_start3A_392, %dma_start3A_393] : memref<10000x128xf32, #tpu.memory_space<hbm>> -> memref<10000x128xf32, #tpu.memory_space<hbm>>
    tpu.enqueue_indirect_dma source(%dma_start3A_394 : memref<10000x128xf32, #tpu.memory_space<hbm>>) target(%arg14 : memref<80x128xf32, #tpu.memory_space<vmem>>) offsets(%arg10 : memref<80xi32, #tpu.memory_space<vmem>>) semaphore(%arg19 : memref<!tpu.dma_semaphore, #tpu.memory_space<semaphore_mem>>)
    %dma_wait3A_395 = arith.constant 0 : i32
    %dma_wait3A_396 = arith.constant 0 : i32
    %dma_wait3A_397 = tpu.memref_slice %arg17[%dma_wait3A_395, %dma_wait3A_396] : memref<10240x128xf32, #tpu.memory_space<vmem_shared>> -> memref<10240x128xf32, #tpu.memory_space<vmem_shared>>
    tpu.wait_indirect_dma semaphore(%arg22 : memref<!tpu.dma_semaphore, #tpu.memory_space<semaphore_mem>>) src(%arg15 : memref<80x128xf32, #tpu.memory_space<vmem>>) dst(%dma_wait3A_397 : memref<10240x128xf32, #tpu.memory_space<vmem_shared>>)
    %dma_wait3A_398 = arith.constant 0 : i32
    %dma_wait3A_399 = tpu.memref_slice %arg18[%dma_wait3A_398] : memref<10240xf32, #tpu.memory_space<vmem_shared>> -> memref<10240xf32, #tpu.memory_space<vmem_shared>>
    tpu.wait_indirect_dma semaphore(%arg22 : memref<!tpu.dma_semaphore, #tpu.memory_space<semaphore_mem>>) src(%arg16 : memref<80xf32, #tpu.memory_space<vmem>>) dst(%dma_wait3A_399 : memref<10240xf32, #tpu.memory_space<vmem_shared>>)
    %dma_wait3A_400 = arith.constant 0 : i32
    %dma_wait3A_401 = arith.constant 0 : i32
    %dma_wait3A_402 = tpu.memref_slice %arg2[%dma_wait3A_400, %dma_wait3A_401] : memref<10000x128xf32, #tpu.memory_space<hbm>> -> memref<10000x128xf32, #tpu.memory_space<hbm>>
    tpu.wait_indirect_dma semaphore(%arg19 : memref<!tpu.dma_semaphore, #tpu.memory_space<semaphore_mem>>) src(%dma_wait3A_402 : memref<10000x128xf32, #tpu.memory_space<hbm>>) dst(%arg14 : memref<80x128xf32, #tpu.memory_space<vmem>>)
    %dma_start3A_403 = arith.constant 0 : i32
    %dma_start3A_404 = arith.constant 0 : i32
    %dma_start3A_405 = tpu.memref_slice %arg17[%dma_start3A_403, %dma_start3A_404] : memref<10240x128xf32, #tpu.memory_space<vmem_shared>> -> memref<10240x128xf32, #tpu.memory_space<vmem_shared>>
    tpu.enqueue_indirect_dma source(%arg14 : memref<80x128xf32, #tpu.memory_space<vmem>>) target(%dma_start3A_405 : memref<10240x128xf32, #tpu.memory_space<vmem_shared>>) offsets(%arg11 : memref<80xi32, #tpu.memory_space<vmem>>) semaphore(%arg21 : memref<!tpu.dma_semaphore, #tpu.memory_space<semaphore_mem>>) {add = true}
    %dma_start3A_406 = arith.constant 0 : i32
    %dma_start3A_407 = tpu.memref_slice %arg18[%dma_start3A_406] : memref<10240xf32, #tpu.memory_space<vmem_shared>> -> memref<10240xf32, #tpu.memory_space<vmem_shared>>
    tpu.enqueue_indirect_dma source(%arg16 : memref<80xf32, #tpu.memory_space<vmem>>) target(%dma_start3A_407 : memref<10240xf32, #tpu.memory_space<vmem_shared>>) offsets(%arg11 : memref<80xi32, #tpu.memory_space<vmem>>) semaphore(%arg21 : memref<!tpu.dma_semaphore, #tpu.memory_space<semaphore_mem>>) {add = true}
    %dma_wait3A_408 = arith.constant 0 : i32
    %dma_wait3A_409 = arith.constant 0 : i32
    %dma_wait3A_410 = tpu.memref_slice %arg17[%dma_wait3A_408, %dma_wait3A_409] : memref<10240x128xf32, #tpu.memory_space<vmem_shared>> -> memref<10240x128xf32, #tpu.memory_space<vmem_shared>>
    tpu.wait_indirect_dma semaphore(%arg21 : memref<!tpu.dma_semaphore, #tpu.memory_space<semaphore_mem>>) src(%arg14 : memref<80x128xf32, #tpu.memory_space<vmem>>) dst(%dma_wait3A_410 : memref<10240x128xf32, #tpu.memory_space<vmem_shared>>)
    %dma_wait3A_411 = arith.constant 0 : i32
    %dma_wait3A_412 = tpu.memref_slice %arg18[%dma_wait3A_411] : memref<10240xf32, #tpu.memory_space<vmem_shared>> -> memref<10240xf32, #tpu.memory_space<vmem_shared>>
    tpu.wait_indirect_dma semaphore(%arg21 : memref<!tpu.dma_semaphore, #tpu.memory_space<semaphore_mem>>) src(%arg16 : memref<80xf32, #tpu.memory_space<vmem>>) dst(%dma_wait3A_412 : memref<10240xf32, #tpu.memory_space<vmem_shared>>)
    %barrier3A_413 = arith.constant 0 : index
    tpu.barrier barrier_id(%barrier3A_413)
    %dma_start3A_414 = arith.constant 0 : i32
    %dma_start3A_415 = tpu.memref_slice %arg7[%arg0, %mul3A_2, %dma_start3A_414] : memref<2x10240x128xf32, #tpu.memory_space<hbm>> -> memref<1x640x128xf32, #tpu.memory_space<hbm>>
    %dma_start3A_416 = tpu.memref_squeeze %dma_start3A_415 : memref<1x640x128xf32, #tpu.memory_space<hbm>> -> memref<640x128xf32, #tpu.memory_space<hbm>>
    %dma_start3A_417 = arith.constant 0 : i32
    %dma_start3A_418 = tpu.memref_slice %arg17[%mul3A_2, %dma_start3A_417] : memref<10240x128xf32, #tpu.memory_space<vmem_shared>> -> memref<640x128xf32, #tpu.memory_space<vmem_shared>>
    tpu.enqueue_dma source(%dma_start3A_418 : memref<640x128xf32, #tpu.memory_space<vmem_shared>>) target(%dma_start3A_416 : memref<640x128xf32, #tpu.memory_space<hbm>>) target_semaphore(%arg23 : memref<!tpu.dma_semaphore, #tpu.memory_space<semaphore_mem>>)
    %dma_start3A_419 = tpu.memref_slice %arg8[%arg0, %mul3A_2] : memref<2x10240xf32, #tpu.memory_space<hbm>> -> memref<1x640xf32, #tpu.memory_space<hbm>>
    %dma_start3A_420 = tpu.memref_squeeze %dma_start3A_419 : memref<1x640xf32, #tpu.memory_space<hbm>> -> memref<640xf32, #tpu.memory_space<hbm>>
    %dma_start3A_421 = tpu.memref_slice %arg18[%mul3A_2] : memref<10240xf32, #tpu.memory_space<vmem_shared>> -> memref<640xf32, #tpu.memory_space<vmem_shared>>
    tpu.enqueue_dma source(%dma_start3A_421 : memref<640xf32, #tpu.memory_space<vmem_shared>>) target(%dma_start3A_420 : memref<640xf32, #tpu.memory_space<hbm>>) target_semaphore(%arg23 : memref<!tpu.dma_semaphore, #tpu.memory_space<semaphore_mem>>)
    %dma_wait3A_422 = arith.constant 0 : i32
    %dma_wait3A_423 = tpu.memref_slice %arg7[%arg0, %mul3A_2, %dma_wait3A_422] : memref<2x10240x128xf32, #tpu.memory_space<hbm>> -> memref<1x640x128xf32, #tpu.memory_space<hbm>>
    %dma_wait3A_424 = tpu.memref_squeeze %dma_wait3A_423 : memref<1x640x128xf32, #tpu.memory_space<hbm>> -> memref<640x128xf32, #tpu.memory_space<hbm>>
    %dma_wait3A_425 = arith.constant 0 : i32
    %dma_wait3A_426 = tpu.memref_slice %arg17[%mul3A_2, %dma_wait3A_425] : memref<10240x128xf32, #tpu.memory_space<vmem_shared>> -> memref<640x128xf32, #tpu.memory_space<vmem_shared>>
    tpu.wait_dma2 semaphore(%arg23 : memref<!tpu.dma_semaphore, #tpu.memory_space<semaphore_mem>>) src(%dma_wait3A_426 : memref<640x128xf32, #tpu.memory_space<vmem_shared>>) dst(%dma_wait3A_424 : memref<640x128xf32, #tpu.memory_space<hbm>>)
    %dma_wait3A_427 = tpu.memref_slice %arg8[%arg0, %mul3A_2] : memref<2x10240xf32, #tpu.memory_space<hbm>> -> memref<1x640xf32, #tpu.memory_space<hbm>>
    %dma_wait3A_428 = tpu.memref_squeeze %dma_wait3A_427 : memref<1x640xf32, #tpu.memory_space<hbm>> -> memref<640xf32, #tpu.memory_space<hbm>>
    %dma_wait3A_429 = tpu.memref_slice %arg18[%mul3A_2] : memref<10240xf32, #tpu.memory_space<vmem_shared>> -> memref<640xf32, #tpu.memory_space<vmem_shared>>
    tpu.wait_dma2 semaphore(%arg23 : memref<!tpu.dma_semaphore, #tpu.memory_space<semaphore_mem>>) src(%dma_wait3A_429 : memref<640xf32, #tpu.memory_space<vmem_shared>>) dst(%dma_wait3A_428 : memref<640xf32, #tpu.memory_space<hbm>>)
    return
  }
}

module attributes {stable_mosaic.version = 14 : i64} {
  func.func @_tc_body(%arg0: i32, %arg1: memref<1000x128xf32, #tpu.memory_space<vmem>>, %arg2: memref<1x1000x128xf32, #tpu.memory_space<vmem>>, %arg3: memref<1x1000x128xf32, #tpu.memory_space<vmem>>, %arg4: memref<1000x1xf32, #tpu.memory_space<vmem>>, %arg5: memref<1000x1xf32, #tpu.memory_space<vmem>>, %arg6: memref<128x128xf32, #tpu.memory_space<vmem>>, %arg7: memref<128x128xf32, #tpu.memory_space<vmem>>, %arg8: memref<1x128xf32, #tpu.memory_space<vmem>>, %arg9: memref<1000x128xf32, #tpu.memory_space<vmem>>) attributes {dimension_semantics = [#tpu.dimension_semantics<arbitrary>], iteration_bounds = array<i64: 10>, scalar_prefetch = 0 : i64, scratch_operands = 0 : i64, tpu.core_type = #tpu.core_type<tc>, window_params = [{transform_indices = @transform_0, window_bounds = array<i64: 1000, 128>}, {transform_indices = @transform_1, window_bounds = array<i64: 1, 1000, 128>}, {transform_indices = @transform_2, window_bounds = array<i64: 1, 1000, 128>}, {transform_indices = @transform_3, window_bounds = array<i64: 1000, 1>}, {transform_indices = @transform_4, window_bounds = array<i64: 1000, 1>}, {pipeline_mode = #tpu.pipeline_mode<synchronous>, transform_indices = @transform_5, window_bounds = array<i64: 128, 128>}, {pipeline_mode = #tpu.pipeline_mode<synchronous>, transform_indices = @transform_6, window_bounds = array<i64: 128, 128>}, {pipeline_mode = #tpu.pipeline_mode<synchronous>, transform_indices = @transform_7, window_bounds = array<i64: 1, 128>}, {transform_indices = @transform_8, window_bounds = array<i64: 1000, 128>}]} {
    %get3A = arith.constant 0 : index
    %get3A_0 = arith.constant 0 : index
    %get3A_1 = vector.load %arg4[%get3A, %get3A_0] : memref<1000x1xf32, #tpu.memory_space<vmem>>, vector<1000x1xf32>
    %get3A_2 = arith.constant 0 : index
    %get3A_3 = arith.constant 0 : index
    %get3A_4 = vector.load %arg5[%get3A_2, %get3A_3] : memref<1000x1xf32, #tpu.memory_space<vmem>>, vector<1000x1xf32>
    %add3A = arith.addf %get3A_1, %get3A_4 : vector<1000x1xf32>
    %max3A = arith.constant 1.000000e+00 : f32
    %max3A_5 = vector.broadcast %max3A : f32 to vector<1000x1xf32>
    %max3A_6 = arith.maximumf %add3A, %max3A_5 : vector<1000x1xf32>
    %get3A_7 = arith.constant 0 : index
    %get3A_8 = arith.constant 0 : index
    %get3A_9 = arith.constant 0 : index
    %get3A_10 = vector.load %arg2[%get3A_7, %get3A_8, %get3A_9] : memref<1x1000x128xf32, #tpu.memory_space<vmem>>, vector<1x1000x128xf32>
    %get3A_11 = vector.shape_cast %get3A_10 : vector<1x1000x128xf32> to vector<1000x128xf32>
    %get3A_12 = arith.constant 0 : index
    %get3A_13 = arith.constant 0 : index
    %get3A_14 = arith.constant 0 : index
    %get3A_15 = vector.load %arg3[%get3A_12, %get3A_13, %get3A_14] : memref<1x1000x128xf32, #tpu.memory_space<vmem>>, vector<1x1000x128xf32>
    %get3A_16 = vector.shape_cast %get3A_15 : vector<1x1000x128xf32> to vector<1000x128xf32>
    %add3A_17 = arith.addf %get3A_11, %get3A_16 : vector<1000x128xf32>
    %div3A = vector.broadcast %max3A_6 : vector<1000x1xf32> to vector<1000x128xf32>
    %div3A_18 = arith.divf %add3A_17, %div3A : vector<1000x128xf32>
    %get3A_19 = arith.constant 0 : index
    %get3A_20 = arith.constant 0 : index
    %get3A_21 = vector.load %arg1[%get3A_19, %get3A_20] : memref<1000x128xf32, #tpu.memory_space<vmem>>, vector<1000x128xf32>
    %get3A_22 = arith.constant 0 : index
    %get3A_23 = arith.constant 0 : index
    %get3A_24 = vector.load %arg6[%get3A_22, %get3A_23] : memref<128x128xf32, #tpu.memory_space<vmem>>, vector<128x128xf32>
    %dot_general3A = arith.constant dense<0.000000e+00> : vector<1000x128xf32>
    %dot_general3A_25 = tpu.matmul %get3A_21, %get3A_24, %dot_general3A {dimension_numbers = #tpu.dot_dimension_numbers<[1], [0], [0], [1], [0, 0, 1, 1], [], []>, transpose_lhs_hint = false} : vector<1000x128xf32>, vector<128x128xf32>, vector<1000x128xf32> -> vector<1000x128xf32>
    %get3A_26 = arith.constant 0 : index
    %get3A_27 = arith.constant 0 : index
    %get3A_28 = vector.load %arg7[%get3A_26, %get3A_27] : memref<128x128xf32, #tpu.memory_space<vmem>>, vector<128x128xf32>
    %dot_general3A_29 = arith.constant dense<0.000000e+00> : vector<1000x128xf32>
    %dot_general3A_30 = tpu.matmul %div3A_18, %get3A_28, %dot_general3A_29 {dimension_numbers = #tpu.dot_dimension_numbers<[1], [0], [0], [1], [0, 0, 1, 1], [], []>, transpose_lhs_hint = false} : vector<1000x128xf32>, vector<128x128xf32>, vector<1000x128xf32> -> vector<1000x128xf32>
    %add3A_31 = arith.addf %dot_general3A_25, %dot_general3A_30 : vector<1000x128xf32>
    %get3A_32 = arith.constant 0 : index
    %get3A_33 = arith.constant 0 : index
    %get3A_34 = vector.load %arg8[%get3A_32, %get3A_33] : memref<1x128xf32, #tpu.memory_space<vmem>>, vector<1x128xf32>
    %add3A_35 = vector.broadcast %get3A_34 : vector<1x128xf32> to vector<1000x128xf32>
    %add3A_36 = arith.addf %add3A_31, %add3A_35 : vector<1000x128xf32>
    %max3A_37 = arith.constant 0.000000e+00 : f32
    %max3A_38 = vector.broadcast %max3A_37 : f32 to vector<1000x128xf32>
    %max3A_39 = arith.maximumf %add3A_36, %max3A_38 : vector<1000x128xf32>
    %swap3A = arith.constant 0 : index
    %swap3A_40 = arith.constant 0 : index
    %swap3A_41 = vector.load %arg9[%swap3A, %swap3A_40] : memref<1000x128xf32, #tpu.memory_space<vmem>>, vector<1000x128xf32>
    tpu.vector_store %arg9[%swap3A, %swap3A_40], %max3A_39 {strides = array<i32>} : memref<1000x128xf32, #tpu.memory_space<vmem>>, vector<1000x128xf32>,
    return
  }
  func.func @transform_0(%arg0: i32) -> (i32, i32) {
    %c0_i32 = arith.constant 0 : i32
    %c0_i32_0 = arith.constant 0 : i32
    return %arg0, %c0_i32 : i32, i32
  }
  func.func @transform_1(%arg0: i32) -> (i32, i32, i32) {
    %c0_i32 = arith.constant 0 : i32
    %c0_i32_0 = arith.constant 0 : i32
    %c0_i32_1 = arith.constant 0 : i32
    return %c0_i32, %arg0, %c0_i32_0 : i32, i32, i32
  }
  func.func @transform_2(%arg0: i32) -> (i32, i32, i32) {
    %c1_i32 = arith.constant 1 : i32
    %c0_i32 = arith.constant 0 : i32
    %c0_i32_0 = arith.constant 0 : i32
    return %c1_i32, %arg0, %c0_i32 : i32, i32, i32
  }
  func.func @transform_3(%arg0: i32) -> (i32, i32) {
    %c0_i32 = arith.constant 0 : i32
    %c0_i32_0 = arith.constant 0 : i32
    return %arg0, %c0_i32 : i32, i32
  }
  func.func @transform_4(%arg0: i32) -> (i32, i32) {
    %c0_i32 = arith.constant 0 : i32
    %c0_i32_0 = arith.constant 0 : i32
    return %arg0, %c0_i32 : i32, i32
  }
  func.func @transform_5(%arg0: i32) -> (i32, i32) {
    %c0_i32 = arith.constant 0 : i32
    %c0_i32_0 = arith.constant 0 : i32
    %c0_i32_1 = arith.constant 0 : i32
    return %c0_i32, %c0_i32_0 : i32, i32
  }
  func.func @transform_6(%arg0: i32) -> (i32, i32) {
    %c0_i32 = arith.constant 0 : i32
    %c0_i32_0 = arith.constant 0 : i32
    %c0_i32_1 = arith.constant 0 : i32
    return %c0_i32, %c0_i32_0 : i32, i32
  }
  func.func @transform_7(%arg0: i32) -> (i32, i32) {
    %c0_i32 = arith.constant 0 : i32
    %c0_i32_0 = arith.constant 0 : i32
    %c0_i32_1 = arith.constant 0 : i32
    return %c0_i32, %c0_i32_0 : i32, i32
  }
  func.func @transform_8(%arg0: i32) -> (i32, i32) {
    %c0_i32 = arith.constant 0 : i32
    %c0_i32_0 = arith.constant 0 : i32
    return %arg0, %c0_i32 : i32, i32
  }
}

</mosaic_0001>

<sc_bundles>
// kernel: kernel.4.cloned.1.call-start
scs
__scs_entry_jumppad:
0x0: {  	(pc) =	sbr.rel $0x88, $3  }
0x1: {  	(tag) =	ssettag $0x0;
	lr =	simm.s32 $0x1  }
0x2: {  	[smem:$0x3F9B] =	sst lr;
	_ =	strace $0xD0000000  }
0x3: {  	_ = 	snop  }
0x4: {  	_ = 	snop  }
0x5: {  	_ = 	snop  }
0x6: {  	_ = 	snop  }
0x7: {  	_ = 	snop  }
__scs_overlays_trampoline_lowered:
0x8: {  	[smem:$0x3FAA] =	sst s0  }
0x9: {  	[smem:$0x3FAB] =	sst s1  }
0xa: {  	[smem:$0x3FAC] =	sst s2  }
0xb: {  	[smem:$0x3FAD] =	sst s3  }
0xc: {  	[smem:$0x3FAE] =	sst s4  }
0xd: {  	[smem:$0x3FAF] =	sst s5  }
0xe: {  	[smem:$0x3FB0] =	sst s6  }
0xf: {  	[smem:$0x3FB1] =	sst s7  }
0x10: {  	[smem:$0x3FB2] =	sst s8  }
0x11: {  	[smem:$0x3FB3] =	sst s9;
	s0 =	simm.s32 @!p0 $0x0  }
0x12: {  	s1 =	sld [smem:$0x3F99];
	s0 =	simm.s32 @p0 $0x1  }
0x13: {  	[smem:$0x3FB4] =	sst s0;
	s0 =	simm.s32 @!p1 $0x0  }
0x14: {  	s2 =	sld [smem:$0x3F98];
	s0 =	simm.s32 @p1 $0x1  }
0x15: {  	[smem:$0x3FB5] =	sst s0;
	s0 =	simm.s32 @!p2 $0x0  }
0x16: {  	s3 =	sld [smem:$0x3FDB];
	s0 =	simm.s32 @p2 $0x1  }
0x17: {  	s4 =	simm.s32 $0x1BF5;
	[smem:$0x3FB7] =	sst s0  }
0x18: {  	s0 =	sld [smem:$0x3F9A];
	_ =	swait.ge [sflag:s4], $0x0  }
0x19: {  	s7 =	sld [smem:$0x3F9B]  }
0x1a: {  	s8 =	sadd.s32 $0xFFFFE003, lr  }
0x1b: {  	s9 =	sadd.s32 $0xFFFFFEF7, lr;
	s5 =	simm.s32 $0xFFFFFFFF;
	p2 =	slt.u32 s8, $0xFFFFF086  }
0x1c: {  	p1 =	slt.u32 s9, $0xF7A;
	s5 =	simm.s32 @!p2 $0x0  }
0x1d: {  	s5 =	simm.s32 @p1 $0x1;
	p0 =	seq.s32 s7, s2  }
0x1e: {  	s7 =	smul.u32 @!p0 $0xF7A, s2;
	p2 =	seq.s32 @!p0 s5, $0x0  }
0x1f: {  	s9 =	smul.u32 $0xF7A, s1;
	s8 =	simm.s32 @!p0 $0x1BF5;
	p2 =	por !p2, p0  }
0x20: {  	[sflag:s8] =	ssyncset.s32 @!p0 $0xFFFFF086;
	s6 =	sadd.s32 @!p0 s3, s7;
	s7 =	simm.s32 @!p0 $0x108  }
0x21: {  	s3 =	sadd.s32 s3, s9;
	s6 =	sadd.s32 @!p0 $0x88, s6;
	s7 =	simm.s32 @p2 $0x1082  }
0x22: {  	[simem:s7], [sflag:s8] =	dma.local @!p0 [hbm:s6], $0xF7A  }
0x23: {  	s9 =	sor.u32 $0xD0000000, s2;
	s6 =	simm.s32 $0x108;
	_ =	swait.ge @!p0 [sflag:s8], $0x0  }
0x24: {  	s3 =	sadd.s32 $0x88, s3;
	s6 =	simm.s32 @!p1 $0x1082;
	[sflag:s4] =	ssyncset.s32 $0xFFFFF086  }
0x25: {  	[simem:s6], [sflag:s4] =	dma.local [hbm:s3], $0xF7A  }
0x26: {  	[smem:$0x3F9B] =	sst s1;
	(tag) =	ssettag s2;
	_ =	strace s9  }
0x27: {  	s1 =	sld [smem:$0x3FAB]  }
0x28: {  	s2 =	sld [smem:$0x3FAC]  }
0x29: {  	s4 =	sld [smem:$0x3FAE]  }
0x2a: {  	p0 =	seq.s32 s5, $0x0;
	s5 =	sld [smem:$0x3FAF]  }
0x2b: {  	s6 =	sld [smem:$0x3FB0]  }
0x2c: {  	s7 =	sld [smem:$0x3FB1]  }
0x2d: {  	s3 =	simm.s32 $0x108;
	s8 =	sld [smem:$0x3FB2]  }
0x2e: {  	s3 =	simm.s32 @!p0 $0x1082;
	s9 =	sld [smem:$0x3FB3]  }
0x2f: {  	lr =	sadd.s32 s0, s3;
	s0 =	sld [smem:$0x3FAA]  }
0x30: {  	s3 =	sld [smem:$0x3FAD]  }
0x31: {  	[smem:$0x3FB6] =	sst s10  }
0x32: {  	s10 =	sld [smem:$0x3FB4];
	_ =	sdelay $0x3  }
0x33: {  	p0 =	seq.s32 s10, $0x1;
	s10 =	sld [smem:$0x3FB6];
	_ =	sdelay $0x3  }
0x34: {  	[smem:$0x3FB6] =	sst s10  }
0x35: {  	s10 =	sld [smem:$0x3FB5];
	_ =	sdelay $0x3  }
0x36: {  	p1 =	seq.s32 s10, $0x1;
	s10 =	sld [smem:$0x3FB6];
	_ =	sdelay $0x3  }
0x37: {  	[smem:$0x3FB6] =	sst s10  }
0x38: {  	s10 =	sld [smem:$0x3FB7]  }
0x39: {  	_ = 	snop;
	(pc) =	sbr.ind lr, $3  }
0x3a: {  	_ = 	snop  }
0x3b: {  	_ = 	snop  }
0x3c: {  	p2 =	seq.s32 s10, $0x1;
	s10 =	sld [smem:$0x3FB6]  }
0x3d: {  	_ =	shalt  }
0x3e: {  	_ =	shalt  }
0x3f: {  	_ =	shalt  }
0x40: {  	_ =	shalt  }
0x41: {  	_ =	shalt  }
0x42: {  	_ =	shalt  }
0x43: {  	_ =	shalt  }
0x44: {  	_ =	shalt  }
0x45: {  	_ =	shalt  }
0x46: {  	_ =	shalt  }
0x47: {  	_ =	shalt  }
0x48: {  	_ =	shalt  }
0x49: {  	_ =	shalt  }
0x4a: {  	_ =	shalt  }
0x4b: {  	_ =	shalt  }
0x4c: {  	_ =	shalt  }
0x4d: {  	_ =	shalt  }
0x4e: {  	_ =	shalt  }
0x4f: {  	_ =	shalt  }
0x50: {  	_ =	shalt  }
0x51: {  	_ =	shalt  }
0x52: {  	_ =	shalt  }
0x53: {  	_ =	shalt  }
0x54: {  	_ =	shalt  }
0x55: {  	_ =	shalt  }
0x56: {  	_ =	shalt  }
0x57: {  	_ =	shalt  }
0x58: {  	_ =	shalt  }
0x59: {  	_ =	shalt  }
0x5a: {  	_ =	shalt  }
0x5b: {  	_ =	shalt  }
0x5c: {  	_ =	shalt  }
0x5d: {  	_ =	shalt  }
0x5e: {  	_ =	shalt  }
0x5f: {  	_ =	shalt  }
0x60: {  	_ =	shalt  }
0x61: {  	_ =	shalt  }
0x62: {  	_ =	shalt  }
0x63: {  	_ =	shalt  }
0x64: {  	_ =	shalt  }
0x65: {  	_ =	shalt  }
0x66: {  	_ =	shalt  }
0x67: {  	_ =	shalt  }
0x68: {  	_ =	shalt  }
0x69: {  	_ =	shalt  }
0x6a: {  	_ =	shalt  }
0x6b: {  	_ =	shalt  }
0x6c: {  	_ =	shalt  }
0x6d: {  	_ =	shalt  }
0x6e: {  	_ =	shalt  }
0x6f: {  	_ =	shalt  }
0x70: {  	_ =	shalt  }
0x71: {  	_ =	shalt  }
0x72: {  	_ =	shalt  }
0x73: {  	_ =	shalt  }
0x74: {  	_ =	shalt  }
0x75: {  	_ =	shalt  }
0x76: {  	_ =	shalt  }
0x77: {  	_ =	shalt  }
0x78: {  	_ =	shalt  }
0x79: {  	_ =	shalt  }
0x7a: {  	_ =	shalt  }
0x7b: {  	_ =	shalt  }
0x7c: {  	_ =	shalt  }
0x7d: {  	_ =	shalt  }
0x7e: {  	_ =	shalt  }
0x7f: {  	_ =	shalt  }
0x80: {  	_ =	shalt  }
0x81: {  	_ =	shalt  }
0x82: {  	_ =	shalt  }
0x83: {  	_ =	shalt  }
0x84: {  	_ =	shalt  }
0x85: {  	_ =	shalt  }
0x86: {  	_ =	shalt  }
0x87: {  	_ =	shalt  }
.Lfunc_end0:
.L_simem_size_0:
called_computation_lowered:
.L_overlay_start_0:
0x88: {  	s2 =	sld [smem:$0x3FD9]  }
0x89: {  	s3 =	sld [smem:$0x3FFE];
	_ =	sdelay $0x1  }
0x8a: {  	s1 =	srdreg.scid  }
0x8b: {  	s0 =	sand.u32 $0x1, s1  }
0x8c: {  	s14 =	sshll.u32 s0, $0xA;
	s2 =	sadd.s32 s3, s2  }
0x8d: {  	s2 =	sadd.s32 s2, s14  }
0x8e: {  	[smem:$0x3FC2] =	sst s2  }
0x8f: {  	_ = 	snop  }
0x90: {  	s2 =	sld [smem:$0x3FD0];
	_ =	sdelay $0x2  }
0x91: {  	s4 =	simm.s32 $0xA;
	s5 =	simm.s32 $0x10;
	s15 =	sld [smem:$0x3FC9]  }
0x92: {  	[smem:s5], [sflag:s4] =	dma.local [hbm:s2], $0x1  }
0x93: {  	_ =	swait.eq [sflag:s4], $0x1  }
0x94: {  	[sflag:s4] =	ssyncset.done $0x0  }
0x95: {  	s16 =	sld [smem:$0x10];
	[sflag:s4] =	ssyncadd.s32 $0xFFFFFFFF  }
0x96: {  	s17 =	sld [smem:$0x11];
	(tm) =	ssettm $0x1  }
0x97: {  	s18 =	sld [smem:$0x3FFB];
	_ =	sdelay $0x3  }
0x98: {  	_ =	strace s18  }
0x99: {  	s5 =	sld [smem:$0x3FFC];
	_ =	sdelay $0x3  }
0x9a: {  	_ =	strace s5  }
0x9b: {  	s5 =	sld [smem:$0x3FFD];
	_ =	sdelay $0x3  }
0x9c: {  	_ =	strace s5  }
0x9d: {  	_ =	strace $0x8FFFFFFF  }
0x9e: {  	s19 =	sld [smem:$0x3FDB];
	_ =	sdelay $0x1  }
0x9f: {  	s6 =	simm.s32 $_scs_section_size  }
0xa0: {  	s7 =	simm.s32 $_size__tile_overlayer_lowered;
	s8 =	simm.s32 $_tile_overlayer_lowered  }
0xa1: {  	s22 =	simm.s32 $0x1BFF;
	s21 =	sshll.u32 s8, $0x1;
	s5 =	sadd.s32 s6, s19  }
0xa2: {  	s9 =	simm.s32 $0x0;
	s20 =	sshll.u32 s7, $0x1;
	s7 =	sadd.s32 s21, s5  }
0xa3: {  	[timem:s9], [sflag:s22] =	dma.local [hbm:s7], s20  }
0xa4: {  	_ =	swait.ge [sflag:s22], s20  }
0xa5: {  	s6 =	ssub.s32 $0x0, s20;
	[sflag:s22] =	ssyncset.done $0x0  }
0xa6: {  	[sflag:s22] =	ssyncadd.s32 s6;
	_ =	sdelay $0x1  }
0xa7: {  	s23 =	simm.s32 $0x1B8B  }
0xa8: {  	_ =	swait.ge [sflag:s23], $0x1  }
0xa9: {  	[sflag:s23] =	ssyncset.done $0x0  }
0xaa: {  	s25 =	simm.s32 $0x1B8E;
	s24 =	sld [smem:$0x3FFE];
	[sflag:s23] =	ssyncadd.s32 $0xFFFFFFFF  }
0xab: {  	s26 =	simm.s32 $execute0_lowered;
	[smem:$0x3FD2] =	sst s25  }
0xac: {  	s7 =	sshll.u32 s26, $0x1;
	_ =	strace $0x80000046;
	[dreg:$0x1] =	wrdreg $0xFFFFFFFF  }
0xad: {  	s28 =	simm.s32 $_size_execute0_lowered;
	s5 =	sadd.s32 s5, s7;
	[dreg:$0x0] =	wrdreg $0x0  }
0xae: {  	s7 =	sshll.u32 s28, $0x1;
	[dreg:$0x2] =	wrdreg s5  }
0xaf: {  	[dreg:$0x3] =	wrdreg s7  }
0xb0: {  	[dreg:$0x4] =	wrdreg $0xC0  }
0xb1: {  	_ =	task [dreg:s9], $0x5FFFF  }
0xb2: {  	[dreg:$0x1] =	wrdreg $0xFFFFFFFF  }
0xb3: {  	[dreg:$0x0] =	wrdreg $0x60  }
0xb4: {  	[dreg:$0x2] =	wrdreg s15  }
0xb5: {  	[dreg:$0x3] =	wrdreg s16  }
0xb6: {  	[dreg:$0x4] =	wrdreg s24  }
0xb7: {  	[dreg:$0x5] =	wrdreg s17  }
0xb8: {  	[dreg:$0x6] =	wrdreg $0x92800  }
0xb9: {  	[dreg:$0x7] =	wrdreg $0x1D2800  }
0xba: {  	[dreg:$0x8] =	wrdreg $0x9  }
0xbb: {  	_ =	task.clear_ibuf [dreg:s9], $0x9FFFF;
	_ =	strace $0x90000046  }
0xbc: {  	s29 =	simm.s32 $0x9;
	_ =	strace $0x80000048  }
0xbd: {  	_ =	swait.ge [sflag:s29], $0x1  }
0xbe: {  	[sflag:s29] =	ssyncadd.s32 $0xFFFFFFFF  }
0xbf: {  	_ =	strace $0x90000048  }
0xc0: {  	_ =	sfence  }
0xc1: {  	s30 =	sld [smem:$0x0];
	_ =	sdelay $0x2  }
0xc2: {  	s31 =	sshll.u32 s1, $0xD;
	s1 =	sshrl.u32 s1, $0x2  }
0xc3: {  	s3 =	sand.u32 $0x4000, s31;
	s1 =	sadd.s32 s1, s30  }
0xc4: {  	s0 =	sor.u32 s3, s0;
	s1 =	sshll.u32 s1, $0x11  }
0xc5: {  	s0 =	sor.u32 s1, s0  }
0xc6: {  	s0 =	sadd.s32 $0x8F2B, s0  }
0xc7: {  	[sflag:s0] =	ssyncadd.remote.s32 $0x1  }
0xc8: {  	_ =	sfence.sel $0xFFFF  }
0xc9: {  	[dreg:$0x0] =	wrdreg $0xFFFFFFFF;
	(pc) =	sbr.abs _section_cstart, $3  }
0xca: {  	[dreg:$0x1] =	wrdreg $0xFFFFFFFF  }
0xcb: {  	_ =	task.clear_ibuf [dreg:s9], $0x2FFFF;
	_ =	strace $0x9FFFFFFF  }
0xcc: {  	(tm) =	ssettm $0x7FFFFFFF  }
0xcd: {  	_ =	shalt  }
tec
execute0_lowered:
.L_overlay_start_1:
0x0: {  	(tag) =	ssettag $0x1  }
0x1: {  	s0 =	rddreg [dreg:$0x0]  }
0x2: {  	s1 =	rddreg [dreg:$0x1]  }
0x3: {  	s2 =	rddreg [dreg:$0x2]  }
0x4: {  	s3 =	rddreg [dreg:$0x4]  }
0x5: {  	s4 =	rddreg [dreg:$0x5];
	s5 =	srdreg.scid;
	s7 =	simm.s32 $0x0  }
0x6: {  	s12 =	stileid.u32;
	s28 =	simm.s32 $0x1;
	s29 =	simm.s32 $0x4080  }
0x7: {  	s30 =	simm.s32 $0x2;
	s31 =	simm.s32 $0x4180;
	s8 =	smul.u32 $0x14000, s12  }
0x8: {  	s5 =	sand.u32 $0x1, s5;
	[smem:$0x7FF] =	sst s7;
	s14 =	smul.u32 $0x500, s12  }
0x9: {  	s7 =	sadd.s32 $0x1600, s2;
	s9 =	sadd.s32 $0x1E00, s2;
	s11 =	smul.u32 $0x50000, s12  }
0xa: {  	s21 =	sshll.u32 s12, $0xB;
	s23 =	sshll.u32 s12, $0x6;
	s24 =	smul.u32 $0xA00, s12  }
0xb: {  	s6 =	smul.u32 $0x140000, s5;
	_ =	strace $0x80000047;
	[dreg:$0x7] =	wrdreg s9  }
0xc: {  	s15 =	sshll.u32 s5, $0x7;
	s16 =	ssub.s32 $0x2, s5;
	s5 =	sshll.u32 s5, $0xF  }
0xd: {  	s1 =	sadd.s32 s1, s21;
	s21 =	simm.s32 $0x5;
	s10 =	sshrl.u32 s16, $0x1  }
0xe: {  	s22 =	sshrl.u32 s11, $0x2;
	s1 =	sadd.s32 s5, s1;
	s11 =	sshrl.u32 s24, $0x2  }
0xf: {  	s24 =	simm.s32 $0x4200;
	s5 =	simm.s32 $0x4;
	s6 =	sadd.s32 s8, s6  }
0x10: {  	s8 =	sor.u32 s15, s14;
	s17 =	ssub.s32 s16, s10;
	s15 =	sadd.s32 s22, s3  }
0x11: {  	[dreg:$0x8] =	wrdreg s1;
	s10 =	sor.u32 $0x1C05, s23;
	s20 =	sadd.s32 s11, s4  }
0x12: {  	s14 =	simm.s32 $0x9200;
	s22 =	simm.s32 $0x50;
	s23 =	simm.s32 $0x4000  }
0x13: {  	s1 =	simm.s32 $0x3;
	s6 =	sshrl.u32 s6, $0x3;
	s8 =	sshrl.u32 s8, $0x3  }
0x14: {  	s25 =	sadd.s32 $0x4000, s15;
	s26 =	sadd.s32 $0x8000, s15;
	s18 =	sadd.s32 $0xC000, s15  }
0x15: {  	s19 =	sadd.s32 $0x10000, s15;
	s13 =	smax.u32 s17, $0x1;
	s15 =	sshrl.u32 s15, $0x3  }
0x16: {  	s20 =	sshrl.u32 s20, $0x3;
	s6 =	sadd.s32 s6, s2;
	s2 =	sadd.s32 s8, s2  }
0x17: {  	s16 =	sshrl.u32 s25, $0x3;
	s17 =	sshrl.u32 s26, $0x3;
	s18 =	sshrl.u32 s18, $0x3  }
0x18: {  	s19 =	sshrl.u32 s19, $0x3;
	s25 =	simm.s32 $0x4100;
	s26 =	simm.s32 $0x6A00  }
0x19: {  	s11 =	sadd.s32 $0x2A00, s6;
	s12 =	sadd.s32 $0x2000, s2;
	s2 =	simm.s32 $0x0  }
.LBB2_1:
0x1a: {  	s6 =	simm.s32 $0x0;
	s8 =	rddreg [dreg:$0x8]  }
0x1b: {  	[tilespmem:s6], [sflag:$0x5] =	stream.linear.gather [hbm4b:s8+s6], $0x3E80, $0x38;
	[tilespmem:$0x1D500] =	vst v63  }
0x1c: {  	s9 =	rddreg [dreg:$0x7]  }
0x1d: {  	[tilespmem:s14], [sflag:$0x5] =	stream.linear.gather [hbm4b:s9+s6], $0x80, $0x38;
	[tilespmem:$0x1D500] =	vst v63  }
0x1e: {  	[spmem:s15], [sflag:s10] =	dma.local [hbm:s7], $0x800  }
0x1f: {  	[spmem:s16], [sflag:s10] =	dma.local [hbm:s7], $0x800  }
0x20: {  	[spmem:s17], [sflag:s10] =	dma.local [hbm:s7], $0x800  }
0x21: {  	[spmem:s18], [sflag:s10] =	dma.local [hbm:s7], $0x800  }
0x22: {  	[spmem:s19], [sflag:s10] =	dma.local [hbm:s7], $0x800  }
0x23: {  	s9 =	rddreg [dreg:$0x3]  }
0x24: {  	[spmem:s20], [sflag:s10] =	dma.local [hbm:s9], $0x50  }
0x25: {  	_ =	swait.ge [sflag:s21], $0x3E80  }
0x26: {  	[sflag:s21] =	ssyncset.done $0x0  }
0x27: {  	[sflag:s21] =	ssyncadd.s32 $0xFFFFC180  }
0x28: {  	_ =	swait.ge [sflag:s21], $0x80  }
0x29: {  	[sflag:s21] =	ssyncset.done $0x0  }
0x2a: {  	[sflag:s21] =	ssyncadd.s32 $0xFFFFFF80  }
0x2b: {  	_ =	swait.ge [sflag:s21], $0x800  }
0x2c: {  	[sflag:s21] =	ssyncset.done $0x0  }
0x2d: {  	[sflag:s21] =	ssyncadd.s32 $0xFFFFF800  }
0x2e: {  	_ =	swait.ge [sflag:s21], $0x800  }
0x2f: {  	[sflag:s21] =	ssyncset.done $0x0  }
0x30: {  	[sflag:s21] =	ssyncadd.s32 $0xFFFFF800  }
0x31: {  	_ =	swait.ge [sflag:s21], $0x800  }
0x32: {  	[sflag:s21] =	ssyncset.done $0x0  }
0x33: {  	[sflag:s21] =	ssyncadd.s32 $0xFFFFF800  }
0x34: {  	_ =	swait.ge [sflag:s21], $0x800  }
0x35: {  	[sflag:s21] =	ssyncset.done $0x0  }
0x36: {  	[sflag:s21] =	ssyncadd.s32 $0xFFFFF800  }
0x37: {  	_ =	swait.ge [sflag:s21], $0x800  }
0x38: {  	[sflag:s21] =	ssyncset.done $0x0  }
0x39: {  	[sflag:s21] =	ssyncadd.s32 $0xFFFFF800  }
0x3a: {  	_ =	swait.ge [sflag:s21], $0x50  }
0x3b: {  	[sflag:s21] =	ssyncset.done $0x0  }
0x3c: {  	[sflag:s21] =	ssyncadd.s32 $0xFFFFFFB0  }
0x3d: {  	[bflag:$0x0] =	sbarrier.arrive $0xFFFF  }
0x3e: {  	v0 =	vld [tilespmem:$0x0];
	_ =	sdelay $0x1  }
0x3f: {  	v1 =	vld [tilespmem:$0x10];
	_ =	sdelay $0x1  }
0x40: {  	v2 =	vld [tilespmem:$0x20]  }
0x41: {  	v3 =	vand.u32 $0xFFFF, v0  }
0x42: {  	v0 =	vshrl.u32 v0, $0x10;
	[tilespmem:$0x4000] =	vst v3;
	v3 =	vld [tilespmem:$0x30]  }
0x43: {  	[tilespmem:$0x4080] =	vst v0;
	v0 =	vand.u32 $0xFFFF, v1  }
0x44: {  	[tilespmem:$0x4010] =	vst v0;
	v0 =	vshrl.u32 v1, $0x10;
	v1 =	vld [tilespmem:$0x40]  }
0x45: {  	[tilespmem:$0x4090] =	vst v0;
	v0 =	vand.u32 $0xFFFF, v2  }
0x46: {  	[tilespmem:$0x4020] =	vst v0;
	v0 =	vshrl.u32 v2, $0x10  }
0x47: {  	[tilespmem:$0x40A0] =	vst v0;
	v0 =	vand.u32 $0xFFFF, v3  }
0x48: {  	[tilespmem:$0x4030] =	vst v0;
	v0 =	vshrl.u32 v3, $0x10  }
0x49: {  	[tilespmem:$0x40B0] =	vst v0;
	v0 =	vand.u32 $0xFFFF, v1  }
0x4a: {  	[tilespmem:$0x4040] =	vst v0;
	v0 =	vshrl.u32 v1, $0x10  }
0x4b: {  	[tilespmem:$0x40C0] =	vst v0  }
0x4c: {  	[tilespmem:s24], [sflag:$0x1] =	stream.indirect.gather [hbm4b:s0+s22], $0x80, s23, s22, $0xb8;
	[tilespmem:$0x1D500] =	vst v63  }
0x4d: {  	v0 =	vld [tilespmem:$0x80];
	_ =	sdelay $0x1  }
0x4e: {  	v1 =	vld [tilespmem:$0x90];
	_ =	sdelay $0x1  }
0x4f: {  	v2 =	vld [tilespmem:$0xA0]  }
0x50: {  	v3 =	vand.u32 $0xFFFF, v0  }
0x51: {  	v0 =	vshrl.u32 v0, $0x10;
	[tilespmem:$0x4100] =	vst v3;
	v3 =	vld [tilespmem:$0xB0]  }
0x52: {  	[tilespmem:$0x4180] =	vst v0;
	v0 =	vand.u32 $0xFFFF, v1  }
0x53: {  	[tilespmem:$0x4110] =	vst v0;
	v0 =	vshrl.u32 v1, $0x10;
	v1 =	vld [tilespmem:$0xC0]  }
0x54: {  	[tilespmem:$0x4190] =	vst v0;
	v0 =	vand.u32 $0xFFFF, v2  }
0x55: {  	[tilespmem:$0x4120] =	vst v0;
	v0 =	vshrl.u32 v2, $0x10  }
0x56: {  	[tilespmem:$0x41A0] =	vst v0;
	v0 =	vand.u32 $0xFFFF, v3  }
0x57: {  	[tilespmem:$0x4130] =	vst v0;
	v0 =	vshrl.u32 v3, $0x10  }
0x58: {  	[tilespmem:$0x41B0] =	vst v0;
	v0 =	vand.u32 $0xFFFF, v1  }
0x59: {  	[tilespmem:$0x4140] =	vst v0;
	v0 =	vshrl.u32 v1, $0x10  }
0x5a: {  	[tilespmem:$0x41C0] =	vst v0  }
0x5b: {  	[tilespmem:s26], [sflag:$0x2] =	stream.indirect.gather [hbm4b:s0+s22], $0x80, s25, s22, $0xb8;
	[tilespmem:$0x1D500] =	vst v63  }
0x5c: {  	_ =	swait.ge [sflag:s28], $0x2800  }
0x5d: {  	[sflag:s28] =	ssyncset.done $0x0  }
0x5e: {  	[sflag:s28] =	ssyncadd.s32 $0xFFFFD800  }
0x5f: {  	[spmem:s3] =	stream.indirect.scatter.add.f32 [tilespmem:s24], [sflag:$0x3], $0x80, s29, s22, $0xb8;
	[tilespmem:$0x1D500] =	vst v63  }
0x60: {  	_ = 	snop  }
0x61: {  	[spmem:s4] =	stream.indirect.scatter.add.f32 [tilespmem:s14], [sflag:$0x3], $0x1, s29, s22, $0xb8;
	[tilespmem:$0x1D500] =	vst v63  }
0x62: {  	_ =	swait.ge [sflag:s30], $0x2800  }
0x63: {  	[sflag:s30] =	ssyncset.done $0x0  }
0x64: {  	[sflag:s30] =	ssyncadd.s32 $0xFFFFD800  }
0x65: {  	[spmem:s3] =	stream.indirect.scatter.add.f32 [tilespmem:s26], [sflag:$0x4], $0x80, s31, s22, $0xb8;
	[tilespmem:$0x1D500] =	vst v63  }
0x66: {  	_ = 	snop  }
0x67: {  	[spmem:s4] =	stream.indirect.scatter.add.f32 [tilespmem:s14], [sflag:$0x4], $0x1, s31, s22, $0xb8;
	[tilespmem:$0x1D500] =	vst v63  }
0x68: {  	_ =	swait.ge [sflag:s1], $0x2800  }
0x69: {  	[sflag:s1] =	ssyncset.done $0x0  }
0x6a: {  	[sflag:s1] =	ssyncadd.s32 $0xFFFFD800  }
0x6b: {  	_ =	swait.ge [sflag:s1], $0x50  }
0x6c: {  	[sflag:s1] =	ssyncset.done $0x0  }
0x6d: {  	s6 =	simm.s32 $0x1C0;
	[sflag:s1] =	ssyncadd.s32 $0xFFFFFFB0  }
0x6e: {  	v0 =	vld [tilespmem:s6+$0xFFFFFF40];
	_ =	sdelay $0x4  }
0x6f: {  	v1 =	vand.u32 $0xFFFF, v0  }
0x70: {  	v0 =	vshrl.u32 v0, $0x10;
	[tilespmem:$0x4000] =	vst v1  }
0x71: {  	[tilespmem:$0x4080] =	vst v0  }
0x72: {  	v0 =	vld [tilespmem:s6+$0xFFFFFF50];
	_ =	sdelay $0x4  }
0x73: {  	v1 =	vand.u32 $0xFFFF, v0  }
0x74: {  	v0 =	vshrl.u32 v0, $0x10;
	[tilespmem:$0x4010] =	vst v1  }
0x75: {  	[tilespmem:$0x4090] =	vst v0  }
0x76: {  	v0 =	vld [tilespmem:s6+$0xFFFFFF60];
	_ =	sdelay $0x4  }
0x77: {  	v1 =	vand.u32 $0xFFFF, v0  }
0x78: {  	v0 =	vshrl.u32 v0, $0x10;
	[tilespmem:$0x4020] =	vst v1  }
0x79: {  	[tilespmem:$0x40A0] =	vst v0  }
0x7a: {  	v0 =	vld [tilespmem:s6+$0xFFFFFF70];
	_ =	sdelay $0x4  }
0x7b: {  	v1 =	vand.u32 $0xFFFF, v0  }
0x7c: {  	v0 =	vshrl.u32 v0, $0x10;
	[tilespmem:$0x4030] =	vst v1  }
0x7d: {  	[tilespmem:$0x40B0] =	vst v0  }
0x7e: {  	v0 =	vld [tilespmem:s6+$0xFFFFFF80];
	_ =	sdelay $0x4  }
0x7f: {  	v1 =	vand.u32 $0xFFFF, v0  }
0x80: {  	v0 =	vshrl.u32 v0, $0x10;
	[tilespmem:$0x4040] =	vst v1  }
0x81: {  	[tilespmem:$0x40C0] =	vst v0  }
0x82: {  	[tilespmem:s24], [sflag:$0x1] =	stream.indirect.gather [hbm4b:s0+s22], $0x80, s23, s22, $0xb8;
	[tilespmem:$0x1D500] =	vst v63  }
0x83: {  	_ =	swait.ge [sflag:s5], $0x2800  }
0x84: {  	[sflag:s5] =	ssyncset.done $0x0  }
0x85: {  	[sflag:s5] =	ssyncadd.s32 $0xFFFFD800  }
0x86: {  	_ =	swait.ge [sflag:s5], $0x50  }
0x87: {  	[sflag:s5] =	ssyncset.done $0x0  }
0x88: {  	[sflag:s5] =	ssyncadd.s32 $0xFFFFFFB0  }
0x89: {  	v0 =	vld [tilespmem:s6+$0xFFFFFFC0];
	_ =	sdelay $0x4  }
0x8a: {  	v1 =	vand.u32 $0xFFFF, v0  }
0x8b: {  	v0 =	vshrl.u32 v0, $0x10;
	[tilespmem:$0x4100] =	vst v1  }
0x8c: {  	[tilespmem:$0x4180] =	vst v0  }
0x8d: {  	v0 =	vld [tilespmem:s6+$0xFFFFFFD0];
	_ =	sdelay $0x4  }
0x8e: {  	v1 =	vand.u32 $0xFFFF, v0  }
0x8f: {  	v0 =	vshrl.u32 v0, $0x10;
	[tilespmem:$0x4110] =	vst v1  }
0x90: {  	[tilespmem:$0x4190] =	vst v0  }
0x91: {  	v0 =	vld [tilespmem:s6+$0xFFFFFFE0];
	_ =	sdelay $0x4  }
0x92: {  	v1 =	vand.u32 $0xFFFF, v0  }
0x93: {  	v0 =	vshrl.u32 v0, $0x10;
	[tilespmem:$0x4120] =	vst v1  }
0x94: {  	[tilespmem:$0x41A0] =	vst v0  }
0x95: {  	v0 =	vld [tilespmem:s6+$0xFFFFFFF0];
	_ =	sdelay $0x4  }
0x96: {  	s8 =	simm.s32 $0xB00;
	v1 =	vand.u32 $0xFFFF, v0;
	v0 =	vshrl.u32 v0, $0x10  }
.LBB2_2:
0x97: {  	p0 =	sne.s32 s8, $0xF700;
	[tilespmem:$0x4130] =	vst v1;
	s9 =	smov.u32 s8;
	s8 =	sadd.s32 $0x400, s8  }
0x98: {  	[tilespmem:$0x41B0] =	vst v0  }
0x99: {  	v0 =	vld [tilespmem:s6+$0x0];
	_ =	sdelay $0x4  }
0x9a: {  	v1 =	vand.u32 $0xFFFF, v0;
	v0 =	vshrl.u32 v0, $0x10  }
0x9b: {  	[tilespmem:$0x4140] =	vst v1  }
0x9c: {  	[tilespmem:$0x41C0] =	vst v0  }
0x9d: {  	[tilespmem:s26], [sflag:$0x2] =	stream.indirect.gather [hbm4b:s0+s22], $0x80, s25, s22, $0xb8;
	[tilespmem:$0x1D500] =	vst v63  }
0x9e: {  	_ =	swait.ge [sflag:s28], $0x2800  }
0x9f: {  	[sflag:s28] =	ssyncset.done $0x0  }
0xa0: {  	[sflag:s28] =	ssyncadd.s32 $0xFFFFD800  }
0xa1: {  	[spmem:s3] =	stream.indirect.scatter.add.f32 [tilespmem:s24], [sflag:$0x3], $0x80, s29, s22, $0xb8;
	[tilespmem:$0x1D500] =	vst v63  }
0xa2: {  	_ = 	snop  }
0xa3: {  	[spmem:s4] =	stream.indirect.scatter.add.f32 [tilespmem:s14], [sflag:$0x3], $0x1, s29, s22, $0xb8;
	[tilespmem:$0x1D500] =	vst v63  }
0xa4: {  	_ =	swait.ge [sflag:s30], $0x2800  }
0xa5: {  	[sflag:s30] =	ssyncset.done $0x0  }
0xa6: {  	[sflag:s30] =	ssyncadd.s32 $0xFFFFD800  }
0xa7: {  	[spmem:s3] =	stream.indirect.scatter.add.f32 [tilespmem:s26], [sflag:$0x4], $0x80, s31, s22, $0xb8;
	[tilespmem:$0x1D500] =	vst v63  }
0xa8: {  	_ = 	snop  }
0xa9: {  	[spmem:s4] =	stream.indirect.scatter.add.f32 [tilespmem:s14], [sflag:$0x4], $0x1, s31, s22, $0xb8;
	[tilespmem:$0x1D500] =	vst v63  }
0xaa: {  	_ =	swait.ge [sflag:s1], $0x2800  }
0xab: {  	[sflag:s1] =	ssyncset.done $0x0  }
0xac: {  	[sflag:s1] =	ssyncadd.s32 $0xFFFFD800  }
0xad: {  	_ =	swait.ge [sflag:s1], $0x50  }
0xae: {  	[sflag:s1] =	ssyncset.done $0x0  }
0xaf: {  	s6 =	sshra.s32 s9, $0x2;
	[sflag:s1] =	ssyncadd.s32 $0xFFFFFFB0  }
0xb0: {  	v0 =	vld [tilespmem:s6+$0xFFFFFF40];
	_ =	sdelay $0x4  }
0xb1: {  	v1 =	vand.u32 $0xFFFF, v0;
	v0 =	vshrl.u32 v0, $0x10  }
0xb2: {  	[tilespmem:$0x4000] =	vst v1  }
0xb3: {  	[tilespmem:$0x4080] =	vst v0  }
0xb4: {  	v0 =	vld [tilespmem:s6+$0xFFFFFF50];
	_ =	sdelay $0x4  }
0xb5: {  	v1 =	vand.u32 $0xFFFF, v0;
	v0 =	vshrl.u32 v0, $0x10  }
0xb6: {  	[tilespmem:$0x4010] =	vst v1  }
0xb7: {  	[tilespmem:$0x4090] =	vst v0  }
0xb8: {  	v0 =	vld [tilespmem:s6+$0xFFFFFF60];
	_ =	sdelay $0x4  }
0xb9: {  	v1 =	vand.u32 $0xFFFF, v0;
	v0 =	vshrl.u32 v0, $0x10  }
0xba: {  	[tilespmem:$0x4020] =	vst v1  }
0xbb: {  	[tilespmem:$0x40A0] =	vst v0  }
0xbc: {  	v0 =	vld [tilespmem:s6+$0xFFFFFF70];
	_ =	sdelay $0x4  }
0xbd: {  	v1 =	vand.u32 $0xFFFF, v0;
	v0 =	vshrl.u32 v0, $0x10  }
0xbe: {  	[tilespmem:$0x4030] =	vst v1  }
0xbf: {  	[tilespmem:$0x40B0] =	vst v0  }
0xc0: {  	v0 =	vld [tilespmem:s6+$0xFFFFFF80];
	_ =	sdelay $0x4  }
0xc1: {  	v1 =	vand.u32 $0xFFFF, v0;
	v0 =	vshrl.u32 v0, $0x10  }
0xc2: {  	[tilespmem:$0x4040] =	vst v1  }
0xc3: {  	[tilespmem:$0x40C0] =	vst v0  }
0xc4: {  	[tilespmem:s24], [sflag:$0x1] =	stream.indirect.gather [hbm4b:s0+s22], $0x80, s23, s22, $0xb8;
	[tilespmem:$0x1D500] =	vst v63  }
0xc5: {  	_ =	swait.ge [sflag:s5], $0x2800  }
0xc6: {  	[sflag:s5] =	ssyncset.done $0x0  }
0xc7: {  	[sflag:s5] =	ssyncadd.s32 $0xFFFFD800  }
0xc8: {  	_ =	swait.ge [sflag:s5], $0x50  }
0xc9: {  	[sflag:s5] =	ssyncset.done $0x0  }
0xca: {  	[sflag:s5] =	ssyncadd.s32 $0xFFFFFFB0  }
0xcb: {  	v0 =	vld [tilespmem:s6+$0xFFFFFFC0];
	_ =	sdelay $0x4  }
0xcc: {  	v1 =	vand.u32 $0xFFFF, v0;
	v0 =	vshrl.u32 v0, $0x10  }
0xcd: {  	[tilespmem:$0x4100] =	vst v1  }
0xce: {  	[tilespmem:$0x4180] =	vst v0  }
0xcf: {  	v0 =	vld [tilespmem:s6+$0xFFFFFFD0];
	_ =	sdelay $0x4  }
0xd0: {  	v1 =	vand.u32 $0xFFFF, v0;
	v0 =	vshrl.u32 v0, $0x10  }
0xd1: {  	[tilespmem:$0x4110] =	vst v1  }
0xd2: {  	[tilespmem:$0x4190] =	vst v0  }
0xd3: {  	v0 =	vld [tilespmem:s6+$0xFFFFFFE0];
	_ =	sdelay $0x4  }
0xd4: {  	v1 =	vand.u32 $0xFFFF, v0;
	v0 =	vshrl.u32 v0, $0x10  }
0xd5: {  	[tilespmem:$0x4120] =	vst v1  }
0xd6: {  	[tilespmem:$0x41A0] =	vst v0  }
0xd7: {  	v0 =	vld [tilespmem:s6+$0xFFFFFFF0]  }
.Ltmp0:
0xd8: {  	(pc) =	sbr.rel @p0 .LBB2_2-.Ltmp0, $2  }
0xd9: {  	_ =	sdelay $0x2  }
0xda: {  	v1 =	vand.u32 $0xFFFF, v0;
	v0 =	vshrl.u32 v0, $0x10  }
0xdb: {  	[tilespmem:$0x4130] =	vst v1  }
0xdc: {  	[tilespmem:$0x41B0] =	vst v0  }
0xdd: {  	v0 =	vld [tilespmem:s6+$0x0];
	_ =	sdelay $0x4  }
0xde: {  	v51 =	vand.u32 $0xFFFF, v0  }
0xdf: {  	v0 =	vshrl.u32 v0, $0x10;
	[tilespmem:$0x4140] =	vst v51  }
0xe0: {  	[tilespmem:$0x41C0] =	vst v0  }
0xe1: {  	[tilespmem:s26], [sflag:$0x2] =	stream.indirect.gather [hbm4b:s0+s22], $0x80, s25, s22, $0xb8;
	[tilespmem:$0x1D500] =	vst v63  }
0xe2: {  	_ =	swait.ge [sflag:s28], $0x2800  }
0xe3: {  	[sflag:s28] =	ssyncset.done $0x0  }
0xe4: {  	[sflag:s28] =	ssyncadd.s32 $0xFFFFD800  }
0xe5: {  	[spmem:s3] =	stream.indirect.scatter.add.f32 [tilespmem:s24], [sflag:$0x3], $0x80, s29, s22, $0xb8;
	[tilespmem:$0x1D500] =	vst v63  }
0xe6: {  	_ = 	snop  }
0xe7: {  	[spmem:s4] =	stream.indirect.scatter.add.f32 [tilespmem:s14], [sflag:$0x3], $0x1, s29, s22, $0xb8;
	[tilespmem:$0x1D500] =	vst v63  }
0xe8: {  	_ =	swait.ge [sflag:s30], $0x2800  }
0xe9: {  	[sflag:s30] =	ssyncset.done $0x0  }
0xea: {  	[sflag:s30] =	ssyncadd.s32 $0xFFFFD800  }
0xeb: {  	[spmem:s3] =	stream.indirect.scatter.add.f32 [tilespmem:s26], [sflag:$0x4], $0x80, s31, s22, $0xb8;
	[tilespmem:$0x1D500] =	vst v63  }
0xec: {  	_ = 	snop  }
0xed: {  	[spmem:s4] =	stream.indirect.scatter.add.f32 [tilespmem:s14], [sflag:$0x4], $0x1, s31, s22, $0xb8;
	[tilespmem:$0x1D500] =	vst v63  }
0xee: {  	_ =	swait.ge [sflag:s1], $0x2800  }
0xef: {  	[sflag:s1] =	ssyncset.done $0x0  }
0xf0: {  	[sflag:s1] =	ssyncadd.s32 $0xFFFFD800  }
0xf1: {  	_ =	swait.ge [sflag:s1], $0x50  }
0xf2: {  	[sflag:s1] =	ssyncset.done $0x0  }
0xf3: {  	[sflag:s1] =	ssyncadd.s32 $0xFFFFFFB0  }
0xf4: {  	v52 =	vld [tilespmem:$0x3E00];
	_ =	sdelay $0x1  }
0xf5: {  	v53 =	vld [tilespmem:$0x3E10];
	_ =	sdelay $0x1  }
0xf6: {  	v2 =	vld [tilespmem:$0x3E20]  }
0xf7: {  	v3 =	vand.u32 $0xFFFF, v52  }
0xf8: {  	v54 =	vld [tilespmem:$0x3E30];
	v0 =	vshrl.u32 v52, $0x10;
	[tilespmem:$0x4000] =	vst v3  }
0xf9: {  	v55 =	vand.u32 $0xFFFF, v53;
	[tilespmem:$0x4080] =	vst v0  }
0xfa: {  	v57 =	vld [tilespmem:$0x3E40];
	v56 =	vshrl.u32 v53, $0x10;
	[tilespmem:$0x4010] =	vst v55  }
0xfb: {  	v58 =	vand.u32 $0xFFFF, v2;
	[tilespmem:$0x4090] =	vst v56  }
0xfc: {  	v59 =	vshrl.u32 v2, $0x10;
	[tilespmem:$0x4020] =	vst v58  }
0xfd: {  	v60 =	vand.u32 $0xFFFF, v54;
	[tilespmem:$0x40A0] =	vst v59  }
0xfe: {  	v61 =	vshrl.u32 v54, $0x10;
	[tilespmem:$0x4030] =	vst v60  }
0xff: {  	v62 =	vand.u32 $0xFFFF, v57;
	[tilespmem:$0x40B0] =	vst v61  }
0x100: {  	v63 =	vshrl.u32 v57, $0x10;
	[tilespmem:$0x4040] =	vst v62  }
0x101: {  	[tilespmem:$0x40C0] =	vst v63  }
0x102: {  	[tilespmem:s24], [sflag:$0x1] =	stream.indirect.gather [hbm4b:s0+s22], $0x80, s23, s22, $0xb8;
	[tilespmem:$0x1D500] =	vst v63  }
0x103: {  	_ =	swait.ge [sflag:s5], $0x2800  }
0x104: {  	[sflag:s5] =	ssyncset.done $0x0  }
0x105: {  	[sflag:s5] =	ssyncadd.s32 $0xFFFFD800  }
0x106: {  	_ =	swait.ge [sflag:s5], $0x50  }
0x107: {  	[sflag:s5] =	ssyncset.done $0x0  }
0x108: {  	[sflag:s5] =	ssyncadd.s32 $0xFFFFFFB0  }
0x109: {  	_ =	swait.ge [sflag:s28], $0x2800  }
0x10a: {  	[sflag:s28] =	ssyncset.done $0x0  }
0x10b: {  	[sflag:s28] =	ssyncadd.s32 $0xFFFFD800  }
0x10c: {  	[spmem:s3] =	stream.indirect.scatter.add.f32 [tilespmem:s24], [sflag:$0x3], $0x80, s29, s22, $0xb8;
	[tilespmem:$0x1D500] =	vst v63  }
0x10d: {  	_ = 	snop  }
0x10e: {  	[spmem:s4] =	stream.indirect.scatter.add.f32 [tilespmem:s14], [sflag:$0x3], $0x1, s29, s22, $0xb8;
	[tilespmem:$0x1D500] =	vst v63  }
0x10f: {  	_ =	swait.ge [sflag:s1], $0x2800  }
0x110: {  	[sflag:s1] =	ssyncset.done $0x0  }
0x111: {  	[sflag:s1] =	ssyncadd.s32 $0xFFFFD800  }
0x112: {  	_ =	swait.ge [sflag:s1], $0x50  }
0x113: {  	[sflag:s1] =	ssyncset.done $0x0  }
0x114: {  	s9 =	simm.s32 $0x20;
	[sflag:s1] =	ssyncadd.s32 $0xFFFFFFB0  }
0x115: {  	s8 =	simm.s32 $0x10;
	s2 =	sadd.s32 $0x1, s2;
	[bflag:$0x0] =	sbarrier.arrive $0xFFFF  }
0x116: {  	[hbm:s11], [sflag:s10] =	dma.local [spmem:s15], $0x2800  }
0x117: {  	[hbm:s12@s9], [sflag:s10] =	dma.strided [spmem:s20@s8], $0x50, s28, $0x10   }
0x118: {  	p0 =	sne.s32 s2, s13;
	_ =	swait.ge [sflag:s21], $0x2800  }
.Ltmp1:
0x119: {  	[sflag:s21] =	ssyncset.done $0x0;
	(pc) =	sbr.rel @p0 .LBB2_1-.Ltmp1, $4  }
0x11a: {  	[sflag:s21] =	ssyncadd.s32 $0xFFFFD800  }
0x11b: {  	_ =	swait.ge [sflag:s21], $0x50  }
0x11c: {  	[sflag:s21] =	ssyncset.done $0x0  }
0x11d: {  	[sflag:s21] =	ssyncadd.s32 $0xFFFFFFB0  }
0x11e: {  	_ =	sfence.sel $0x180000  }
0x11f: {  	[bflag:$0x0] =	sbarrier.arrive $0xFFFF  }
0x120: {  	_ =	strace $0x90000047  }
0x121: {  	s0 =	stileid.u32;
	[bflag:$0x2] =	sbarrier.arrive $0xFFFF  }
0x122: {  	p0 =	sne.s32 s0, $0x0;
	s0 =	rddreg [dreg:$0x6]  }
0x123: {  	s0 =	sadd.s32 @!p0 $0x100000, s0  }
0x124: {  	[sflag:s0] =	ssyncadd.tile.s32 @!p0 $0x1;
	_ =	shalt  }
.Lfunc_end2:
_tile_overlayer_lowered:
.L_overlay_start_2:
0x125: {  	(tag) =	ssettag $0x2  }
0x126: {  	s0 =	rddreg [dreg:$0x0];
	s2 =	stileid.u32  }
0x127: {  	s1 =	rddreg [dreg:$0x1];
	p0 =	sne.s32 s2, $0x0  }
0x128: {  	s3 =	rddreg [dreg:$0x2];
	[bflag:$0x3] =	sbarrier.arrive $0xFFFF;
	s2 =	simm.s32 @!p0 $0x1C06  }
0x129: {  	[timem:s3], [sflag:s2] =	dma.local @!p0 [hbm:s0], s1  }
0x12a: {  	s0 =	simm.s32 @!p0 $0x6  }
0x12b: {  	_ =	swait.ge @!p0 [sflag:s0], s1  }
0x12c: {  	s1 =	ssub.s32 @!p0 $0x0, s1;
	[sflag:s0] =	ssyncset.done @!p0 $0x0  }
0x12d: {  	[sflag:s0] =	ssyncadd.s32 @!p0 s1  }
0x12e: {  	[bflag:$0x3] =	sbarrier.arrive $0xFFFF  }
0x12f: {  	_ =	shalt  }

</sc_bundles>
